<compile_context>
chip_gen: v7x
topology: tpu7x:2x2x1
jax: 0.10.2.dev20260603
libtpu: 0.0.44.dev20260713+nightly
codegen_flags: <defaults>
</compile_context>

<pallas_src>
import functools

import jax
import jax.numpy as jnp
from jax import lax
from jax.experimental import pallas as pl
from jax.experimental.pallas import tpu as pltpu
from jax.experimental.pallas import tpu_sc as plsc

NC = 2
NS = 16
NW = NC * NS

BATCH = 1024
SEQ = 200
SEQ_PAD = 256
EMBED = 64
ROWS_PER_W = BATCH // NW
SPLIT = (96, 104)
N_CHUNKS = ROWS_PER_W * 2
NBUF = 4
N_ROUNDS = N_CHUNKS // NBUF


def _body(table_hbm, idx_hbm, out_hbm, idx_v, *rest):
    bufs = rest[:NBUF]
    sems = rest[NBUF:]

    c = lax.axis_index("c")
    s = lax.axis_index("s")
    wid = s * NC + c
    row0 = wid * ROWS_PER_W

    pltpu.sync_copy(idx_hbm.at[pl.ds(row0, ROWS_PER_W)], idx_v)

    def idx_slice(j, p):
        return idx_v.at[j // 2, pl.ds(p * SPLIT[0], SPLIT[p])]

    def dst(b, p):
        return bufs[b].at[pl.ds(0, SPLIT[p])]

    def gather(j, b, p):
        pltpu.async_copy(table_hbm.at[idx_slice(j, p)], dst(b, p), sems[b])

    def wait(j, b, p):
        pltpu.make_async_copy(
            table_hbm.at[idx_slice(j, p)], dst(b, p), sems[b]
        ).wait()

    def put(j, b, p):
        pltpu.sync_copy(
            dst(b, p),
            out_hbm.at[row0 + j // 2, pl.ds(p * SPLIT[0], SPLIT[p])],
        )

    for b in range(NBUF):
        gather(b, b, b % 2)

    def round_body(t, carry):
        for b in range(NBUF):
            j = t * NBUF + b
            p = b % 2
            wait(j, b, p)
            put(j, b, p)
            gather(j + NBUF, b, p)
        return carry

    lax.fori_loop(0, N_ROUNDS - 1, round_body, 0)

    for b in range(NBUF):
        j = (N_ROUNDS - 1) * NBUF + b
        wait(j, b, b % 2)
        put(j, b, b % 2)


@jax.jit
def _lookup(table, idx):
    k = functools.partial(
        pl.kernel,
        out_type=jax.ShapeDtypeStruct((BATCH, SEQ, EMBED), jnp.float32),
        mesh=plsc.VectorSubcoreMesh(core_axis_name="c", subcore_axis_name="s"),
        scratch_types=[
            pltpu.VMEM((ROWS_PER_W, SEQ_PAD), jnp.int32),
            *[pltpu.VMEM((SPLIT[1], EMBED), jnp.float32) for _ in range(NBUF)],
            *[pltpu.SemaphoreType.DMA for _ in range(NBUF)],
        ],
        compiler_params=pltpu.CompilerParams(use_tc_tiling_on_sc=False),
    )(_body)
    return k(table, idx)


def kernel(token_ids, embedding_table):
    idx = jnp.pad(token_ids.astype(jnp.int32), ((0, 0), (0, SEQ_PAD - SEQ)))
    return _lookup(embedding_table, idx)

# --- scband reference (transcript-rebuilt; emitter-appended) ---
"""Pipeline reference for scband-token-embedding-30640296689965 (READ-ONLY COPY).

The authoritative reference and input builder live on the scoring server;
editing this copy changes nothing except your own understanding.
"""

import jax, jax.numpy as jnp
import numpy as np

VOCAB_SIZE = 1000000
EMBED_DIM = 64

def setup_inputs(seed: int = 0) -> dict:
    key = jax.random.key(seed)
    k_idx, k_tab = jax.random.split(key)
    token_ids = jax.random.randint(k_idx, (1024, 200), 0, VOCAB_SIZE, dtype=jnp.int64 if jax.config.jax_enable_x64 else jnp.int32)
    embedding_table = jax.random.normal(k_tab, (VOCAB_SIZE, EMBED_DIM), dtype=jnp.float32)
    return {"token_ids": token_ids, "embedding_table": embedding_table}

def reference(token_ids, embedding_table):
    # nn.Embedding lookup: (batch, seq_len) -> (batch, seq_len, embed_dim)
    return jnp.take(embedding_table, token_ids, axis=0)

if __name__ == "__main__":
    import jax
    _d = setup_inputs()
    print(jax.jit(kernel)(*tuple(_d.values())))

</pallas_src>

<mosaic_0001>
#map = affine_map<(d0, d1) -> (0, 0)>
#map1 = affine_map<(d0, d1) -> (0, 0, 0)>
module attributes {stable_mosaic.version = 14 : i64} {
  func.func @_body(%arg0: i32, %arg1: i32, %arg2: memref<1000000x64xf32, #tpu.memory_space<hbm>>, %arg3: memref<1024x256xi32, #tpu.memory_space<hbm>>, %arg4: memref<1024x200x64xf32, #tpu.memory_space<hbm>>, %arg5: memref<32x256xi32, #tpu.memory_space<vmem>>, %arg6: memref<104x64xf32, #tpu.memory_space<vmem>>, %arg7: memref<104x64xf32, #tpu.memory_space<vmem>>, %arg8: memref<104x64xf32, #tpu.memory_space<vmem>>, %arg9: memref<104x64xf32, #tpu.memory_space<vmem>>, %arg10: memref<!tpu.dma_semaphore, #tpu.memory_space<semaphore_mem>>, %arg11: memref<!tpu.dma_semaphore, #tpu.memory_space<semaphore_mem>>, %arg12: memref<!tpu.dma_semaphore, #tpu.memory_space<semaphore_mem>>, %arg13: memref<!tpu.dma_semaphore, #tpu.memory_space<semaphore_mem>>) attributes {dimension_semantics = [#tpu.dimension_semantics<core_parallel>, #tpu.dimension_semantics<subcore_parallel>], iteration_bounds = array<i64: 2, 16>, scalar_prefetch = 0 : i64, scratch_operands = 9 : i64, tpu.core_type = #tpu.core_type<sc_vector_subcore>, window_params = [{transform_indices = #map}, {transform_indices = #map}, {transform_indices = #map1}]} {
    %mul3A = arith.constant 2 : i32
    %mul3A_0 = arith.muli %arg1, %mul3A : i32
    %add3A = arith.addi %mul3A_0, %arg0 : i32
    %mul3A_1 = arith.constant 32 : i32
    %mul3A_2 = arith.muli %add3A, %mul3A_1 : i32
    "tpu.region"() ({
      %run_scoped3A = tpu.sem_alloc : memref<!tpu.dma_semaphore, #tpu.memory_space<semaphore_mem>>
      %dma_start3A_94 = arith.constant 0 : i32
      %dma_start3A_95 = tpu.memref_slice %arg3[%mul3A_2, %dma_start3A_94] : memref<1024x256xi32, #tpu.memory_space<hbm>> -> memref<32x256xi32, #tpu.memory_space<hbm>>
      %dma_start3A_96 = arith.constant 0 : i32
      %dma_start3A_97 = tpu.memref_slice %arg3[%mul3A_2, %dma_start3A_96] : memref<1024x256xi32, #tpu.memory_space<hbm>> -> memref<32x256xi32, #tpu.memory_space<hbm>>
      tpu.enqueue_dma source(%dma_start3A_97 : memref<32x256xi32, #tpu.memory_space<hbm>>) target(%arg5 : memref<32x256xi32, #tpu.memory_space<vmem>>) target_semaphore(%run_scoped3A : memref<!tpu.dma_semaphore, #tpu.memory_space<semaphore_mem>>)
      %dma_wait3A_98 = arith.constant 0 : i32
      %dma_wait3A_99 = tpu.memref_slice %arg3[%mul3A_2, %dma_wait3A_98] : memref<1024x256xi32, #tpu.memory_space<hbm>> -> memref<32x256xi32, #tpu.memory_space<hbm>>
      %dma_wait3A_100 = arith.constant 0 : i32
      %dma_wait3A_101 = tpu.memref_slice %arg3[%mul3A_2, %dma_wait3A_100] : memref<1024x256xi32, #tpu.memory_space<hbm>> -> memref<32x256xi32, #tpu.memory_space<hbm>>
      tpu.wait_dma2 semaphore(%run_scoped3A : memref<!tpu.dma_semaphore, #tpu.memory_space<semaphore_mem>>) src(%dma_wait3A_101 : memref<32x256xi32, #tpu.memory_space<hbm>>) dst(%arg5 : memref<32x256xi32, #tpu.memory_space<vmem>>)
      tpu.yield
    }) : () -> ()
    %dma_start3A = arith.constant 0 : i32
    %dma_start3A_3 = arith.constant 0 : i32
    %dma_start3A_4 = arith.constant 0 : i32
    %dma_start3A_5 = tpu.memref_slice %arg6[%dma_start3A_3, %dma_start3A_4] : memref<104x64xf32, #tpu.memory_space<vmem>> -> memref<96x64xf32, #tpu.memory_space<vmem>>
    %dma_start3A_6 = arith.constant 0 : i32
    %dma_start3A_7 = tpu.memref_slice %arg5[%dma_start3A, %dma_start3A_6] : memref<32x256xi32, #tpu.memory_space<vmem>> -> memref<1x96xi32, #tpu.memory_space<vmem>>
    %dma_start3A_8 = tpu.memref_squeeze %dma_start3A_7 : memref<1x96xi32, #tpu.memory_space<vmem>> -> memref<96xi32, #tpu.memory_space<vmem>>
    %dma_start3A_9 = arith.constant 0 : i32
    %dma_start3A_10 = arith.constant 0 : i32
    %dma_start3A_11 = tpu.memref_slice %arg2[%dma_start3A_9, %dma_start3A_10] : memref<1000000x64xf32, #tpu.memory_space<hbm>> -> memref<1000000x64xf32, #tpu.memory_space<hbm>>
    tpu.enqueue_indirect_dma source(%dma_start3A_11 : memref<1000000x64xf32, #tpu.memory_space<hbm>>) target(%dma_start3A_5 : memref<96x64xf32, #tpu.memory_space<vmem>>) offsets(%dma_start3A_8 : memref<96xi32, #tpu.memory_space<vmem>>) semaphore(%arg10 : memref<!tpu.dma_semaphore, #tpu.memory_space<semaphore_mem>>)
    %dma_start3A_12 = arith.constant 0 : i32
    %dma_start3A_13 = arith.constant 0 : i32
    %dma_start3A_14 = arith.constant 0 : i32
    %dma_start3A_15 = tpu.memref_slice %arg7[%dma_start3A_13, %dma_start3A_14] : memref<104x64xf32, #tpu.memory_space<vmem>> -> memref<104x64xf32, #tpu.memory_space<vmem>>
    %dma_start3A_16 = arith.constant 96 : i32
    %dma_start3A_17 = tpu.memref_slice %arg5[%dma_start3A_12, %dma_start3A_16] : memref<32x256xi32, #tpu.memory_space<vmem>> -> memref<1x104xi32, #tpu.memory_space<vmem>>
    %dma_start3A_18 = tpu.memref_squeeze %dma_start3A_17 : memref<1x104xi32, #tpu.memory_space<vmem>> -> memref<104xi32, #tpu.memory_space<vmem>>
    %dma_start3A_19 = arith.constant 0 : i32
    %dma_start3A_20 = arith.constant 0 : i32
    %dma_start3A_21 = tpu.memref_slice %arg2[%dma_start3A_19, %dma_start3A_20] : memref<1000000x64xf32, #tpu.memory_space<hbm>> -> memref<1000000x64xf32, #tpu.memory_space<hbm>>
    tpu.enqueue_indirect_dma source(%dma_start3A_21 : memref<1000000x64xf32, #tpu.memory_space<hbm>>) target(%dma_start3A_15 : memref<104x64xf32, #tpu.memory_space<vmem>>) offsets(%dma_start3A_18 : memref<104xi32, #tpu.memory_space<vmem>>) semaphore(%arg11 : memref<!tpu.dma_semaphore, #tpu.memory_space<semaphore_mem>>)
    %dma_start3A_22 = arith.constant 1 : i32
    %dma_start3A_23 = arith.constant 0 : i32
    %dma_start3A_24 = arith.constant 0 : i32
    %dma_start3A_25 = tpu.memref_slice %arg8[%dma_start3A_23, %dma_start3A_24] : memref<104x64xf32, #tpu.memory_space<vmem>> -> memref<96x64xf32, #tpu.memory_space<vmem>>
    %dma_start3A_26 = arith.constant 0 : i32
    %dma_start3A_27 = tpu.memref_slice %arg5[%dma_start3A_22, %dma_start3A_26] : memref<32x256xi32, #tpu.memory_space<vmem>> -> memref<1x96xi32, #tpu.memory_space<vmem>>
    %dma_start3A_28 = tpu.memref_squeeze %dma_start3A_27 : memref<1x96xi32, #tpu.memory_space<vmem>> -> memref<96xi32, #tpu.memory_space<vmem>>
    %dma_start3A_29 = arith.constant 0 : i32
    %dma_start3A_30 = arith.constant 0 : i32
    %dma_start3A_31 = tpu.memref_slice %arg2[%dma_start3A_29, %dma_start3A_30] : memref<1000000x64xf32, #tpu.memory_space<hbm>> -> memref<1000000x64xf32, #tpu.memory_space<hbm>>
    tpu.enqueue_indirect_dma source(%dma_start3A_31 : memref<1000000x64xf32, #tpu.memory_space<hbm>>) target(%dma_start3A_25 : memref<96x64xf32, #tpu.memory_space<vmem>>) offsets(%dma_start3A_28 : memref<96xi32, #tpu.memory_space<vmem>>) semaphore(%arg12 : memref<!tpu.dma_semaphore, #tpu.memory_space<semaphore_mem>>)
    %dma_start3A_32 = arith.constant 1 : i32
    %dma_start3A_33 = arith.constant 0 : i32
    %dma_start3A_34 = arith.constant 0 : i32
    %dma_start3A_35 = tpu.memref_slice %arg9[%dma_start3A_33, %dma_start3A_34] : memref<104x64xf32, #tpu.memory_space<vmem>> -> memref<104x64xf32, #tpu.memory_space<vmem>>
    %dma_start3A_36 = arith.constant 96 : i32
    %dma_start3A_37 = tpu.memref_slice %arg5[%dma_start3A_32, %dma_start3A_36] : memref<32x256xi32, #tpu.memory_space<vmem>> -> memref<1x104xi32, #tpu.memory_space<vmem>>
    %dma_start3A_38 = tpu.memref_squeeze %dma_start3A_37 : memref<1x104xi32, #tpu.memory_space<vmem>> -> memref<104xi32, #tpu.memory_space<vmem>>
    %dma_start3A_39 = arith.constant 0 : i32
    %dma_start3A_40 = arith.constant 0 : i32
    %dma_start3A_41 = tpu.memref_slice %arg2[%dma_start3A_39, %dma_start3A_40] : memref<1000000x64xf32, #tpu.memory_space<hbm>> -> memref<1000000x64xf32, #tpu.memory_space<hbm>>
    tpu.enqueue_indirect_dma source(%dma_start3A_41 : memref<1000000x64xf32, #tpu.memory_space<hbm>>) target(%dma_start3A_35 : memref<104x64xf32, #tpu.memory_space<vmem>>) offsets(%dma_start3A_38 : memref<104xi32, #tpu.memory_space<vmem>>) semaphore(%arg13 : memref<!tpu.dma_semaphore, #tpu.memory_space<semaphore_mem>>)
    %scan3A = arith.constant 0 : i32
    %scan3A_42 = arith.constant 0 : i32
    %scan3A_43 = arith.constant 15 : i32
    %scan3A_44 = arith.addi %scan3A_42, %scan3A_43 : i32
    %scan3A_45 = arith.constant 1 : i32
    scf.for %scan3A_94 = %scan3A_42 to %scan3A_44 step %scan3A_45  : i32 {
      %mul3A_95 = arith.constant 4 : i32
      %mul3A_96 = arith.muli %scan3A_94, %mul3A_95 : i32
      %add3A_97 = arith.constant 0 : i32
      %add3A_98 = arith.addi %mul3A_96, %add3A_97 : i32
      %jit3A = arith.constant 2 : i32
      %div3A = arith.divsi %add3A_98, %jit3A : i32
      %sign3A = arith.constant 0 : i32
      %sign3A_99 = arith.cmpi sgt, %add3A_98, %sign3A : i32
      %sign3A_100 = arith.extui %sign3A_99 : i1 to i32
      %sign3A_101 = arith.constant 0 : i32
      %sign3A_102 = arith.cmpi slt, %add3A_98, %sign3A_101 : i32
      %sign3A_103 = arith.extui %sign3A_102 : i1 to i32
      %sign3A_104 = arith.subi %sign3A_100, %sign3A_103 : i32
      %sign3A_105 = arith.constant 0 : i32
      %sign3A_106 = arith.cmpi sgt, %jit3A, %sign3A_105 : i32
      %sign3A_107 = arith.extui %sign3A_106 : i1 to i32
      %sign3A_108 = arith.constant 0 : i32
      %sign3A_109 = arith.cmpi slt, %jit3A, %sign3A_108 : i32
      %sign3A_110 = arith.extui %sign3A_109 : i1 to i32
      %sign3A_111 = arith.subi %sign3A_107, %sign3A_110 : i32
      %ne3A = arith.cmpi ne, %sign3A_104, %sign3A_111 : i32
      %rem3A = arith.remsi %add3A_98, %jit3A : i32
      %ne3A_112 = arith.constant 0 : i32
      %ne3A_113 = arith.cmpi ne, %rem3A, %ne3A_112 : i32
      %and3A = arith.andi %ne3A, %ne3A_113 : i1
      %sub3A = arith.constant 1 : i32
      %sub3A_114 = arith.subi %div3A, %sub3A : i32
      %select_n3A = arith.select %and3A, %sub3A_114, %div3A : i32
      %dma_wait3A_115 = arith.constant 0 : i32
      %dma_wait3A_116 = arith.constant 0 : i32
      %dma_wait3A_117 = tpu.memref_slice %arg6[%dma_wait3A_115, %dma_wait3A_116] : memref<104x64xf32, #tpu.memory_space<vmem>> -> memref<96x64xf32, #tpu.memory_space<vmem>>
      %dma_wait3A_118 = arith.constant 0 : i32
      %dma_wait3A_119 = tpu.memref_slice %arg5[%select_n3A, %dma_wait3A_118] : memref<32x256xi32, #tpu.memory_space<vmem>> -> memref<1x96xi32, #tpu.memory_space<vmem>>
      %dma_wait3A_120 = tpu.memref_squeeze %dma_wait3A_119 : memref<1x96xi32, #tpu.memory_space<vmem>> -> memref<96xi32, #tpu.memory_space<vmem>>
      %dma_wait3A_121 = arith.constant 0 : i32
      %dma_wait3A_122 = arith.constant 0 : i32
      %dma_wait3A_123 = tpu.memref_slice %arg2[%dma_wait3A_121, %dma_wait3A_122] : memref<1000000x64xf32, #tpu.memory_space<hbm>> -> memref<1000000x64xf32, #tpu.memory_space<hbm>>
      tpu.wait_indirect_dma semaphore(%arg10 : memref<!tpu.dma_semaphore, #tpu.memory_space<semaphore_mem>>) src(%dma_wait3A_123 : memref<1000000x64xf32, #tpu.memory_space<hbm>>) dst(%dma_wait3A_117 : memref<96x64xf32, #tpu.memory_space<vmem>>)
      %jit3A_124 = arith.constant 2 : i32
      %div3A_125 = arith.divsi %add3A_98, %jit3A_124 : i32
      %sign3A_126 = arith.constant 0 : i32
      %sign3A_127 = arith.cmpi sgt, %add3A_98, %sign3A_126 : i32
      %sign3A_128 = arith.extui %sign3A_127 : i1 to i32
      %sign3A_129 = arith.constant 0 : i32
      %sign3A_130 = arith.cmpi slt, %add3A_98, %sign3A_129 : i32
      %sign3A_131 = arith.extui %sign3A_130 : i1 to i32
      %sign3A_132 = arith.subi %sign3A_128, %sign3A_131 : i32
      %sign3A_133 = arith.constant 0 : i32
      %sign3A_134 = arith.cmpi sgt, %jit3A_124, %sign3A_133 : i32
      %sign3A_135 = arith.extui %sign3A_134 : i1 to i32
      %sign3A_136 = arith.constant 0 : i32
      %sign3A_137 = arith.cmpi slt, %jit3A_124, %sign3A_136 : i32
      %sign3A_138 = arith.extui %sign3A_137 : i1 to i32
      %sign3A_139 = arith.subi %sign3A_135, %sign3A_138 : i32
      %ne3A_140 = arith.cmpi ne, %sign3A_132, %sign3A_139 : i32
      %rem3A_141 = arith.remsi %add3A_98, %jit3A_124 : i32
      %ne3A_142 = arith.constant 0 : i32
      %ne3A_143 = arith.cmpi ne, %rem3A_141, %ne3A_142 : i32
      %and3A_144 = arith.andi %ne3A_140, %ne3A_143 : i1
      %sub3A_145 = arith.constant 1 : i32
      %sub3A_146 = arith.subi %div3A_125, %sub3A_145 : i32
      %select_n3A_147 = arith.select %and3A_144, %sub3A_146, %div3A_125 : i32
      %add3A_148 = arith.addi %mul3A_2, %select_n3A_147 : i32
      "tpu.region"() ({
        %run_scoped3A = tpu.sem_alloc : memref<!tpu.dma_semaphore, #tpu.memory_space<semaphore_mem>>
        %dma_start3A_475 = arith.constant 0 : i32
        %dma_start3A_476 = arith.constant 0 : i32
        %dma_start3A_477 = tpu.memref_slice %arg6[%dma_start3A_475, %dma_start3A_476] : memref<104x64xf32, #tpu.memory_space<vmem>> -> memref<96x64xf32, #tpu.memory_space<vmem>>
        %dma_start3A_478 = arith.constant 0 : i32
        %dma_start3A_479 = arith.constant 0 : i32
        %dma_start3A_480 = tpu.memref_slice %arg4[%add3A_148, %dma_start3A_478, %dma_start3A_479] : memref<1024x200x64xf32, #tpu.memory_space<hbm>> -> memref<1x96x64xf32, #tpu.memory_space<hbm>>
        %dma_start3A_481 = tpu.memref_squeeze %dma_start3A_480 : memref<1x96x64xf32, #tpu.memory_space<hbm>> -> memref<96x64xf32, #tpu.memory_space<hbm>>
        %dma_start3A_482 = arith.constant 0 : i32
        %dma_start3A_483 = arith.constant 0 : i32
        %dma_start3A_484 = tpu.memref_slice %arg4[%add3A_148, %dma_start3A_482, %dma_start3A_483] : memref<1024x200x64xf32, #tpu.memory_space<hbm>> -> memref<1x96x64xf32, #tpu.memory_space<hbm>>
        %dma_start3A_485 = tpu.memref_squeeze %dma_start3A_484 : memref<1x96x64xf32, #tpu.memory_space<hbm>> -> memref<96x64xf32, #tpu.memory_space<hbm>>
        %dma_start3A_486 = arith.constant 0 : i32
        %dma_start3A_487 = arith.constant 0 : i32
        %dma_start3A_488 = tpu.memref_slice %arg6[%dma_start3A_486, %dma_start3A_487] : memref<104x64xf32, #tpu.memory_space<vmem>> -> memref<96x64xf32, #tpu.memory_space<vmem>>
        tpu.enqueue_dma source(%dma_start3A_488 : memref<96x64xf32, #tpu.memory_space<vmem>>) target(%dma_start3A_485 : memref<96x64xf32, #tpu.memory_space<hbm>>) target_semaphore(%run_scoped3A : memref<!tpu.dma_semaphore, #tpu.memory_space<semaphore_mem>>)
        %dma_wait3A_489 = arith.constant 0 : i32
        %dma_wait3A_490 = arith.constant 0 : i32
        %dma_wait3A_491 = tpu.memref_slice %arg6[%dma_wait3A_489, %dma_wait3A_490] : memref<104x64xf32, #tpu.memory_space<vmem>> -> memref<96x64xf32, #tpu.memory_space<vmem>>
        %dma_wait3A_492 = arith.constant 0 : i32
        %dma_wait3A_493 = arith.constant 0 : i32
        %dma_wait3A_494 = tpu.memref_slice %arg4[%add3A_148, %dma_wait3A_492, %dma_wait3A_493] : memref<1024x200x64xf32, #tpu.memory_space<hbm>> -> memref<1x96x64xf32, #tpu.memory_space<hbm>>
        %dma_wait3A_495 = tpu.memref_squeeze %dma_wait3A_494 : memref<1x96x64xf32, #tpu.memory_space<hbm>> -> memref<96x64xf32, #tpu.memory_space<hbm>>
        %dma_wait3A_496 = arith.constant 0 : i32
        %dma_wait3A_497 = arith.constant 0 : i32
        %dma_wait3A_498 = tpu.memref_slice %arg4[%add3A_148, %dma_wait3A_496, %dma_wait3A_497] : memref<1024x200x64xf32, #tpu.memory_space<hbm>> -> memref<1x96x64xf32, #tpu.memory_space<hbm>>
        %dma_wait3A_499 = tpu.memref_squeeze %dma_wait3A_498 : memref<1x96x64xf32, #tpu.memory_space<hbm>> -> memref<96x64xf32, #tpu.memory_space<hbm>>
        %dma_wait3A_500 = arith.constant 0 : i32
        %dma_wait3A_501 = arith.constant 0 : i32
        %dma_wait3A_502 = tpu.memref_slice %arg6[%dma_wait3A_500, %dma_wait3A_501] : memref<104x64xf32, #tpu.memory_space<vmem>> -> memref<96x64xf32, #tpu.memory_space<vmem>>
        tpu.wait_dma2 semaphore(%run_scoped3A : memref<!tpu.dma_semaphore, #tpu.memory_space<semaphore_mem>>) src(%dma_wait3A_502 : memref<96x64xf32, #tpu.memory_space<vmem>>) dst(%dma_wait3A_499 : memref<96x64xf32, #tpu.memory_space<hbm>>)
        tpu.yield
      }) : () -> ()
      %add3A_149 = arith.constant 4 : i32
      %add3A_150 = arith.addi %add3A_98, %add3A_149 : i32
      %jit3A_151 = arith.constant 2 : i32
      %div3A_152 = arith.divsi %add3A_150, %jit3A_151 : i32
      %sign3A_153 = arith.constant 0 : i32
      %sign3A_154 = arith.cmpi sgt, %add3A_150, %sign3A_153 : i32
      %sign3A_155 = arith.extui %sign3A_154 : i1 to i32
      %sign3A_156 = arith.constant 0 : i32
      %sign3A_157 = arith.cmpi slt, %add3A_150, %sign3A_156 : i32
      %sign3A_158 = arith.extui %sign3A_157 : i1 to i32
      %sign3A_159 = arith.subi %sign3A_155, %sign3A_158 : i32
      %sign3A_160 = arith.constant 0 : i32
      %sign3A_161 = arith.cmpi sgt, %jit3A_151, %sign3A_160 : i32
      %sign3A_162 = arith.extui %sign3A_161 : i1 to i32
      %sign3A_163 = arith.constant 0 : i32
      %sign3A_164 = arith.cmpi slt, %jit3A_151, %sign3A_163 : i32
      %sign3A_165 = arith.extui %sign3A_164 : i1 to i32
      %sign3A_166 = arith.subi %sign3A_162, %sign3A_165 : i32
      %ne3A_167 = arith.cmpi ne, %sign3A_159, %sign3A_166 : i32
      %rem3A_168 = arith.remsi %add3A_150, %jit3A_151 : i32
      %ne3A_169 = arith.constant 0 : i32
      %ne3A_170 = arith.cmpi ne, %rem3A_168, %ne3A_169 : i32
      %and3A_171 = arith.andi %ne3A_167, %ne3A_170 : i1
      %sub3A_172 = arith.constant 1 : i32
      %sub3A_173 = arith.subi %div3A_152, %sub3A_172 : i32
      %select_n3A_174 = arith.select %and3A_171, %sub3A_173, %div3A_152 : i32
      %dma_start3A_175 = arith.constant 0 : i32
      %dma_start3A_176 = arith.constant 0 : i32
      %dma_start3A_177 = tpu.memref_slice %arg6[%dma_start3A_175, %dma_start3A_176] : memref<104x64xf32, #tpu.memory_space<vmem>> -> memref<96x64xf32, #tpu.memory_space<vmem>>
      %dma_start3A_178 = arith.constant 0 : i32
      %dma_start3A_179 = tpu.memref_slice %arg5[%select_n3A_174, %dma_start3A_178] : memref<32x256xi32, #tpu.memory_space<vmem>> -> memref<1x96xi32, #tpu.memory_space<vmem>>
      %dma_start3A_180 = tpu.memref_squeeze %dma_start3A_179 : memref<1x96xi32, #tpu.memory_space<vmem>> -> memref<96xi32, #tpu.memory_space<vmem>>
      %dma_start3A_181 = arith.constant 0 : i32
      %dma_start3A_182 = arith.constant 0 : i32
      %dma_start3A_183 = tpu.memref_slice %arg2[%dma_start3A_181, %dma_start3A_182] : memref<1000000x64xf32, #tpu.memory_space<hbm>> -> memref<1000000x64xf32, #tpu.memory_space<hbm>>
      tpu.enqueue_indirect_dma source(%dma_start3A_183 : memref<1000000x64xf32, #tpu.memory_space<hbm>>) target(%dma_start3A_177 : memref<96x64xf32, #tpu.memory_space<vmem>>) offsets(%dma_start3A_180 : memref<96xi32, #tpu.memory_space<vmem>>) semaphore(%arg10 : memref<!tpu.dma_semaphore, #tpu.memory_space<semaphore_mem>>)
      %mul3A_184 = arith.constant 4 : i32
      %mul3A_185 = arith.muli %scan3A_94, %mul3A_184 : i32
      %add3A_186 = arith.constant 1 : i32
      %add3A_187 = arith.addi %mul3A_185, %add3A_186 : i32
      %jit3A_188 = arith.constant 2 : i32
      %div3A_189 = arith.divsi %add3A_187, %jit3A_188 : i32
      %sign3A_190 = arith.constant 0 : i32
      %sign3A_191 = arith.cmpi sgt, %add3A_187, %sign3A_190 : i32
      %sign3A_192 = arith.extui %sign3A_191 : i1 to i32
      %sign3A_193 = arith.constant 0 : i32
      %sign3A_194 = arith.cmpi slt, %add3A_187, %sign3A_193 : i32
      %sign3A_195 = arith.extui %sign3A_194 : i1 to i32
      %sign3A_196 = arith.subi %sign3A_192, %sign3A_195 : i32
      %sign3A_197 = arith.constant 0 : i32
      %sign3A_198 = arith.cmpi sgt, %jit3A_188, %sign3A_197 : i32
      %sign3A_199 = arith.extui %sign3A_198 : i1 to i32
      %sign3A_200 = arith.constant 0 : i32
      %sign3A_201 = arith.cmpi slt, %jit3A_188, %sign3A_200 : i32
      %sign3A_202 = arith.extui %sign3A_201 : i1 to i32
      %sign3A_203 = arith.subi %sign3A_199, %sign3A_202 : i32
      %ne3A_204 = arith.cmpi ne, %sign3A_196, %sign3A_203 : i32
      %rem3A_205 = arith.remsi %add3A_187, %jit3A_188 : i32
      %ne3A_206 = arith.constant 0 : i32
      %ne3A_207 = arith.cmpi ne, %rem3A_205, %ne3A_206 : i32
      %and3A_208 = arith.andi %ne3A_204, %ne3A_207 : i1
      %sub3A_209 = arith.constant 1 : i32
      %sub3A_210 = arith.subi %div3A_189, %sub3A_209 : i32
      %select_n3A_211 = arith.select %and3A_208, %sub3A_210, %div3A_189 : i32
      %dma_wait3A_212 = arith.constant 0 : i32
      %dma_wait3A_213 = arith.constant 0 : i32
      %dma_wait3A_214 = tpu.memref_slice %arg7[%dma_wait3A_212, %dma_wait3A_213] : memref<104x64xf32, #tpu.memory_space<vmem>> -> memref<104x64xf32, #tpu.memory_space<vmem>>
      %dma_wait3A_215 = arith.constant 96 : i32
      %dma_wait3A_216 = tpu.memref_slice %arg5[%select_n3A_211, %dma_wait3A_215] : memref<32x256xi32, #tpu.memory_space<vmem>> -> memref<1x104xi32, #tpu.memory_space<vmem>>
      %dma_wait3A_217 = tpu.memref_squeeze %dma_wait3A_216 : memref<1x104xi32, #tpu.memory_space<vmem>> -> memref<104xi32, #tpu.memory_space<vmem>>
      %dma_wait3A_218 = arith.constant 0 : i32
      %dma_wait3A_219 = arith.constant 0 : i32
      %dma_wait3A_220 = tpu.memref_slice %arg2[%dma_wait3A_218, %dma_wait3A_219] : memref<1000000x64xf32, #tpu.memory_space<hbm>> -> memref<1000000x64xf32, #tpu.memory_space<hbm>>
      tpu.wait_indirect_dma semaphore(%arg11 : memref<!tpu.dma_semaphore, #tpu.memory_space<semaphore_mem>>) src(%dma_wait3A_220 : memref<1000000x64xf32, #tpu.memory_space<hbm>>) dst(%dma_wait3A_214 : memref<104x64xf32, #tpu.memory_space<vmem>>)
      %jit3A_221 = arith.constant 2 : i32
      %div3A_222 = arith.divsi %add3A_187, %jit3A_221 : i32
      %sign3A_223 = arith.constant 0 : i32
      %sign3A_224 = arith.cmpi sgt, %add3A_187, %sign3A_223 : i32
      %sign3A_225 = arith.extui %sign3A_224 : i1 to i32
      %sign3A_226 = arith.constant 0 : i32
      %sign3A_227 = arith.cmpi slt, %add3A_187, %sign3A_226 : i32
      %sign3A_228 = arith.extui %sign3A_227 : i1 to i32
      %sign3A_229 = arith.subi %sign3A_225, %sign3A_228 : i32
      %sign3A_230 = arith.constant 0 : i32
      %sign3A_231 = arith.cmpi sgt, %jit3A_221, %sign3A_230 : i32
      %sign3A_232 = arith.extui %sign3A_231 : i1 to i32
      %sign3A_233 = arith.constant 0 : i32
      %sign3A_234 = arith.cmpi slt, %jit3A_221, %sign3A_233 : i32
      %sign3A_235 = arith.extui %sign3A_234 : i1 to i32
      %sign3A_236 = arith.subi %sign3A_232, %sign3A_235 : i32
      %ne3A_237 = arith.cmpi ne, %sign3A_229, %sign3A_236 : i32
      %rem3A_238 = arith.remsi %add3A_187, %jit3A_221 : i32
      %ne3A_239 = arith.constant 0 : i32
      %ne3A_240 = arith.cmpi ne, %rem3A_238, %ne3A_239 : i32
      %and3A_241 = arith.andi %ne3A_237, %ne3A_240 : i1
      %sub3A_242 = arith.constant 1 : i32
      %sub3A_243 = arith.subi %div3A_222, %sub3A_242 : i32
      %select_n3A_244 = arith.select %and3A_241, %sub3A_243, %div3A_222 : i32
      %add3A_245 = arith.addi %mul3A_2, %select_n3A_244 : i32
      "tpu.region"() ({
        %run_scoped3A = tpu.sem_alloc : memref<!tpu.dma_semaphore, #tpu.memory_space<semaphore_mem>>
        %dma_start3A_475 = arith.constant 0 : i32
        %dma_start3A_476 = arith.constant 0 : i32
        %dma_start3A_477 = tpu.memref_slice %arg7[%dma_start3A_475, %dma_start3A_476] : memref<104x64xf32, #tpu.memory_space<vmem>> -> memref<104x64xf32, #tpu.memory_space<vmem>>
        %dma_start3A_478 = arith.constant 96 : i32
        %dma_start3A_479 = arith.constant 0 : i32
        %dma_start3A_480 = tpu.memref_slice %arg4[%add3A_245, %dma_start3A_478, %dma_start3A_479] : memref<1024x200x64xf32, #tpu.memory_space<hbm>> -> memref<1x104x64xf32, #tpu.memory_space<hbm>>
        %dma_start3A_481 = tpu.memref_squeeze %dma_start3A_480 : memref<1x104x64xf32, #tpu.memory_space<hbm>> -> memref<104x64xf32, #tpu.memory_space<hbm>>
        %dma_start3A_482 = arith.constant 96 : i32
        %dma_start3A_483 = arith.constant 0 : i32
        %dma_start3A_484 = tpu.memref_slice %arg4[%add3A_245, %dma_start3A_482, %dma_start3A_483] : memref<1024x200x64xf32, #tpu.memory_space<hbm>> -> memref<1x104x64xf32, #tpu.memory_space<hbm>>
        %dma_start3A_485 = tpu.memref_squeeze %dma_start3A_484 : memref<1x104x64xf32, #tpu.memory_space<hbm>> -> memref<104x64xf32, #tpu.memory_space<hbm>>
        %dma_start3A_486 = arith.constant 0 : i32
        %dma_start3A_487 = arith.constant 0 : i32
        %dma_start3A_488 = tpu.memref_slice %arg7[%dma_start3A_486, %dma_start3A_487] : memref<104x64xf32, #tpu.memory_space<vmem>> -> memref<104x64xf32, #tpu.memory_space<vmem>>
        tpu.enqueue_dma source(%dma_start3A_488 : memref<104x64xf32, #tpu.memory_space<vmem>>) target(%dma_start3A_485 : memref<104x64xf32, #tpu.memory_space<hbm>>) target_semaphore(%run_scoped3A : memref<!tpu.dma_semaphore, #tpu.memory_space<semaphore_mem>>)
        %dma_wait3A_489 = arith.constant 0 : i32
        %dma_wait3A_490 = arith.constant 0 : i32
        %dma_wait3A_491 = tpu.memref_slice %arg7[%dma_wait3A_489, %dma_wait3A_490] : memref<104x64xf32, #tpu.memory_space<vmem>> -> memref<104x64xf32, #tpu.memory_space<vmem>>
        %dma_wait3A_492 = arith.constant 96 : i32
        %dma_wait3A_493 = arith.constant 0 : i32
        %dma_wait3A_494 = tpu.memref_slice %arg4[%add3A_245, %dma_wait3A_492, %dma_wait3A_493] : memref<1024x200x64xf32, #tpu.memory_space<hbm>> -> memref<1x104x64xf32, #tpu.memory_space<hbm>>
        %dma_wait3A_495 = tpu.memref_squeeze %dma_wait3A_494 : memref<1x104x64xf32, #tpu.memory_space<hbm>> -> memref<104x64xf32, #tpu.memory_space<hbm>>
        %dma_wait3A_496 = arith.constant 96 : i32
        %dma_wait3A_497 = arith.constant 0 : i32
        %dma_wait3A_498 = tpu.memref_slice %arg4[%add3A_245, %dma_wait3A_496, %dma_wait3A_497] : memref<1024x200x64xf32, #tpu.memory_space<hbm>> -> memref<1x104x64xf32, #tpu.memory_space<hbm>>
        %dma_wait3A_499 = tpu.memref_squeeze %dma_wait3A_498 : memref<1x104x64xf32, #tpu.memory_space<hbm>> -> memref<104x64xf32, #tpu.memory_space<hbm>>
        %dma_wait3A_500 = arith.constant 0 : i32
        %dma_wait3A_501 = arith.constant 0 : i32
        %dma_wait3A_502 = tpu.memref_slice %arg7[%dma_wait3A_500, %dma_wait3A_501] : memref<104x64xf32, #tpu.memory_space<vmem>> -> memref<104x64xf32, #tpu.memory_space<vmem>>
        tpu.wait_dma2 semaphore(%run_scoped3A : memref<!tpu.dma_semaphore, #tpu.memory_space<semaphore_mem>>) src(%dma_wait3A_502 : memref<104x64xf32, #tpu.memory_space<vmem>>) dst(%dma_wait3A_499 : memref<104x64xf32, #tpu.memory_space<hbm>>)
        tpu.yield
      }) : () -> ()
      %add3A_246 = arith.constant 4 : i32
      %add3A_247 = arith.addi %add3A_187, %add3A_246 : i32
      %jit3A_248 = arith.constant 2 : i32
      %div3A_249 = arith.divsi %add3A_247, %jit3A_248 : i32
      %sign3A_250 = arith.constant 0 : i32
      %sign3A_251 = arith.cmpi sgt, %add3A_247, %sign3A_250 : i32
      %sign3A_252 = arith.extui %sign3A_251 : i1 to i32
      %sign3A_253 = arith.constant 0 : i32
      %sign3A_254 = arith.cmpi slt, %add3A_247, %sign3A_253 : i32
      %sign3A_255 = arith.extui %sign3A_254 : i1 to i32
      %sign3A_256 = arith.subi %sign3A_252, %sign3A_255 : i32
      %sign3A_257 = arith.constant 0 : i32
      %sign3A_258 = arith.cmpi sgt, %jit3A_248, %sign3A_257 : i32
      %sign3A_259 = arith.extui %sign3A_258 : i1 to i32
      %sign3A_260 = arith.constant 0 : i32
      %sign3A_261 = arith.cmpi slt, %jit3A_248, %sign3A_260 : i32
      %sign3A_262 = arith.extui %sign3A_261 : i1 to i32
      %sign3A_263 = arith.subi %sign3A_259, %sign3A_262 : i32
      %ne3A_264 = arith.cmpi ne, %sign3A_256, %sign3A_263 : i32
      %rem3A_265 = arith.remsi %add3A_247, %jit3A_248 : i32
      %ne3A_266 = arith.constant 0 : i32
      %ne3A_267 = arith.cmpi ne, %rem3A_265, %ne3A_266 : i32
      %and3A_268 = arith.andi %ne3A_264, %ne3A_267 : i1
      %sub3A_269 = arith.constant 1 : i32
      %sub3A_270 = arith.subi %div3A_249, %sub3A_269 : i32
      %select_n3A_271 = arith.select %and3A_268, %sub3A_270, %div3A_249 : i32
      %dma_start3A_272 = arith.constant 0 : i32
      %dma_start3A_273 = arith.constant 0 : i32
      %dma_start3A_274 = tpu.memref_slice %arg7[%dma_start3A_272, %dma_start3A_273] : memref<104x64xf32, #tpu.memory_space<vmem>> -> memref<104x64xf32, #tpu.memory_space<vmem>>
      %dma_start3A_275 = arith.constant 96 : i32
      %dma_start3A_276 = tpu.memref_slice %arg5[%select_n3A_271, %dma_start3A_275] : memref<32x256xi32, #tpu.memory_space<vmem>> -> memref<1x104xi32, #tpu.memory_space<vmem>>
      %dma_start3A_277 = tpu.memref_squeeze %dma_start3A_276 : memref<1x104xi32, #tpu.memory_space<vmem>> -> memref<104xi32, #tpu.memory_space<vmem>>
      %dma_start3A_278 = arith.constant 0 : i32
      %dma_start3A_279 = arith.constant 0 : i32
      %dma_start3A_280 = tpu.memref_slice %arg2[%dma_start3A_278, %dma_start3A_279] : memref<1000000x64xf32, #tpu.memory_space<hbm>> -> memref<1000000x64xf32, #tpu.memory_space<hbm>>
      tpu.enqueue_indirect_dma source(%dma_start3A_280 : memref<1000000x64xf32, #tpu.memory_space<hbm>>) target(%dma_start3A_274 : memref<104x64xf32, #tpu.memory_space<vmem>>) offsets(%dma_start3A_277 : memref<104xi32, #tpu.memory_space<vmem>>) semaphore(%arg11 : memref<!tpu.dma_semaphore, #tpu.memory_space<semaphore_mem>>)
      %mul3A_281 = arith.constant 4 : i32
      %mul3A_282 = arith.muli %scan3A_94, %mul3A_281 : i32
      %add3A_283 = arith.constant 2 : i32
      %add3A_284 = arith.addi %mul3A_282, %add3A_283 : i32
      %jit3A_285 = arith.constant 2 : i32
      %div3A_286 = arith.divsi %add3A_284, %jit3A_285 : i32
      %sign3A_287 = arith.constant 0 : i32
      %sign3A_288 = arith.cmpi sgt, %add3A_284, %sign3A_287 : i32
      %sign3A_289 = arith.extui %sign3A_288 : i1 to i32
      %sign3A_290 = arith.constant 0 : i32
      %sign3A_291 = arith.cmpi slt, %add3A_284, %sign3A_290 : i32
      %sign3A_292 = arith.extui %sign3A_291 : i1 to i32
      %sign3A_293 = arith.subi %sign3A_289, %sign3A_292 : i32
      %sign3A_294 = arith.constant 0 : i32
      %sign3A_295 = arith.cmpi sgt, %jit3A_285, %sign3A_294 : i32
      %sign3A_296 = arith.extui %sign3A_295 : i1 to i32
      %sign3A_297 = arith.constant 0 : i32
      %sign3A_298 = arith.cmpi slt, %jit3A_285, %sign3A_297 : i32
      %sign3A_299 = arith.extui %sign3A_298 : i1 to i32
      %sign3A_300 = arith.subi %sign3A_296, %sign3A_299 : i32
      %ne3A_301 = arith.cmpi ne, %sign3A_293, %sign3A_300 : i32
      %rem3A_302 = arith.remsi %add3A_284, %jit3A_285 : i32
      %ne3A_303 = arith.constant 0 : i32
      %ne3A_304 = arith.cmpi ne, %rem3A_302, %ne3A_303 : i32
      %and3A_305 = arith.andi %ne3A_301, %ne3A_304 : i1
      %sub3A_306 = arith.constant 1 : i32
      %sub3A_307 = arith.subi %div3A_286, %sub3A_306 : i32
      %select_n3A_308 = arith.select %and3A_305, %sub3A_307, %div3A_286 : i32
      %dma_wait3A_309 = arith.constant 0 : i32
      %dma_wait3A_310 = arith.constant 0 : i32
      %dma_wait3A_311 = tpu.memref_slice %arg8[%dma_wait3A_309, %dma_wait3A_310] : memref<104x64xf32, #tpu.memory_space<vmem>> -> memref<96x64xf32, #tpu.memory_space<vmem>>
      %dma_wait3A_312 = arith.constant 0 : i32
      %dma_wait3A_313 = tpu.memref_slice %arg5[%select_n3A_308, %dma_wait3A_312] : memref<32x256xi32, #tpu.memory_space<vmem>> -> memref<1x96xi32, #tpu.memory_space<vmem>>
      %dma_wait3A_314 = tpu.memref_squeeze %dma_wait3A_313 : memref<1x96xi32, #tpu.memory_space<vmem>> -> memref<96xi32, #tpu.memory_space<vmem>>
      %dma_wait3A_315 = arith.constant 0 : i32
      %dma_wait3A_316 = arith.constant 0 : i32
      %dma_wait3A_317 = tpu.memref_slice %arg2[%dma_wait3A_315, %dma_wait3A_316] : memref<1000000x64xf32, #tpu.memory_space<hbm>> -> memref<1000000x64xf32, #tpu.memory_space<hbm>>
      tpu.wait_indirect_dma semaphore(%arg12 : memref<!tpu.dma_semaphore, #tpu.memory_space<semaphore_mem>>) src(%dma_wait3A_317 : memref<1000000x64xf32, #tpu.memory_space<hbm>>) dst(%dma_wait3A_311 : memref<96x64xf32, #tpu.memory_space<vmem>>)
      %jit3A_318 = arith.constant 2 : i32
      %div3A_319 = arith.divsi %add3A_284, %jit3A_318 : i32
      %sign3A_320 = arith.constant 0 : i32
      %sign3A_321 = arith.cmpi sgt, %add3A_284, %sign3A_320 : i32
      %sign3A_322 = arith.extui %sign3A_321 : i1 to i32
      %sign3A_323 = arith.constant 0 : i32
      %sign3A_324 = arith.cmpi slt, %add3A_284, %sign3A_323 : i32
      %sign3A_325 = arith.extui %sign3A_324 : i1 to i32
      %sign3A_326 = arith.subi %sign3A_322, %sign3A_325 : i32
      %sign3A_327 = arith.constant 0 : i32
      %sign3A_328 = arith.cmpi sgt, %jit3A_318, %sign3A_327 : i32
      %sign3A_329 = arith.extui %sign3A_328 : i1 to i32
      %sign3A_330 = arith.constant 0 : i32
      %sign3A_331 = arith.cmpi slt, %jit3A_318, %sign3A_330 : i32
      %sign3A_332 = arith.extui %sign3A_331 : i1 to i32
      %sign3A_333 = arith.subi %sign3A_329, %sign3A_332 : i32
      %ne3A_334 = arith.cmpi ne, %sign3A_326, %sign3A_333 : i32
      %rem3A_335 = arith.remsi %add3A_284, %jit3A_318 : i32
      %ne3A_336 = arith.constant 0 : i32
      %ne3A_337 = arith.cmpi ne, %rem3A_335, %ne3A_336 : i32
      %and3A_338 = arith.andi %ne3A_334, %ne3A_337 : i1
      %sub3A_339 = arith.constant 1 : i32
      %sub3A_340 = arith.subi %div3A_319, %sub3A_339 : i32
      %select_n3A_341 = arith.select %and3A_338, %sub3A_340, %div3A_319 : i32
      %add3A_342 = arith.addi %mul3A_2, %select_n3A_341 : i32
      "tpu.region"() ({
        %run_scoped3A = tpu.sem_alloc : memref<!tpu.dma_semaphore, #tpu.memory_space<semaphore_mem>>
        %dma_start3A_475 = arith.constant 0 : i32
        %dma_start3A_476 = arith.constant 0 : i32
        %dma_start3A_477 = tpu.memref_slice %arg8[%dma_start3A_475, %dma_start3A_476] : memref<104x64xf32, #tpu.memory_space<vmem>> -> memref<96x64xf32, #tpu.memory_space<vmem>>
        %dma_start3A_478 = arith.constant 0 : i32
        %dma_start3A_479 = arith.constant 0 : i32
        %dma_start3A_480 = tpu.memref_slice %arg4[%add3A_342, %dma_start3A_478, %dma_start3A_479] : memref<1024x200x64xf32, #tpu.memory_space<hbm>> -> memref<1x96x64xf32, #tpu.memory_space<hbm>>
        %dma_start3A_481 = tpu.memref_squeeze %dma_start3A_480 : memref<1x96x64xf32, #tpu.memory_space<hbm>> -> memref<96x64xf32, #tpu.memory_space<hbm>>
        %dma_start3A_482 = arith.constant 0 : i32
        %dma_start3A_483 = arith.constant 0 : i32
        %dma_start3A_484 = tpu.memref_slice %arg4[%add3A_342, %dma_start3A_482, %dma_start3A_483] : memref<1024x200x64xf32, #tpu.memory_space<hbm>> -> memref<1x96x64xf32, #tpu.memory_space<hbm>>
        %dma_start3A_485 = tpu.memref_squeeze %dma_start3A_484 : memref<1x96x64xf32, #tpu.memory_space<hbm>> -> memref<96x64xf32, #tpu.memory_space<hbm>>
        %dma_start3A_486 = arith.constant 0 : i32
        %dma_start3A_487 = arith.constant 0 : i32
        %dma_start3A_488 = tpu.memref_slice %arg8[%dma_start3A_486, %dma_start3A_487] : memref<104x64xf32, #tpu.memory_space<vmem>> -> memref<96x64xf32, #tpu.memory_space<vmem>>
        tpu.enqueue_dma source(%dma_start3A_488 : memref<96x64xf32, #tpu.memory_space<vmem>>) target(%dma_start3A_485 : memref<96x64xf32, #tpu.memory_space<hbm>>) target_semaphore(%run_scoped3A : memref<!tpu.dma_semaphore, #tpu.memory_space<semaphore_mem>>)
        %dma_wait3A_489 = arith.constant 0 : i32
        %dma_wait3A_490 = arith.constant 0 : i32
        %dma_wait3A_491 = tpu.memref_slice %arg8[%dma_wait3A_489, %dma_wait3A_490] : memref<104x64xf32, #tpu.memory_space<vmem>> -> memref<96x64xf32, #tpu.memory_space<vmem>>
        %dma_wait3A_492 = arith.constant 0 : i32
        %dma_wait3A_493 = arith.constant 0 : i32
        %dma_wait3A_494 = tpu.memref_slice %arg4[%add3A_342, %dma_wait3A_492, %dma_wait3A_493] : memref<1024x200x64xf32, #tpu.memory_space<hbm>> -> memref<1x96x64xf32, #tpu.memory_space<hbm>>
        %dma_wait3A_495 = tpu.memref_squeeze %dma_wait3A_494 : memref<1x96x64xf32, #tpu.memory_space<hbm>> -> memref<96x64xf32, #tpu.memory_space<hbm>>
        %dma_wait3A_496 = arith.constant 0 : i32
        %dma_wait3A_497 = arith.constant 0 : i32
        %dma_wait3A_498 = tpu.memref_slice %arg4[%add3A_342, %dma_wait3A_496, %dma_wait3A_497] : memref<1024x200x64xf32, #tpu.memory_space<hbm>> -> memref<1x96x64xf32, #tpu.memory_space<hbm>>
        %dma_wait3A_499 = tpu.memref_squeeze %dma_wait3A_498 : memref<1x96x64xf32, #tpu.memory_space<hbm>> -> memref<96x64xf32, #tpu.memory_space<hbm>>
        %dma_wait3A_500 = arith.constant 0 : i32
        %dma_wait3A_501 = arith.constant 0 : i32
        %dma_wait3A_502 = tpu.memref_slice %arg8[%dma_wait3A_500, %dma_wait3A_501] : memref<104x64xf32, #tpu.memory_space<vmem>> -> memref<96x64xf32, #tpu.memory_space<vmem>>
        tpu.wait_dma2 semaphore(%run_scoped3A : memref<!tpu.dma_semaphore, #tpu.memory_space<semaphore_mem>>) src(%dma_wait3A_502 : memref<96x64xf32, #tpu.memory_space<vmem>>) dst(%dma_wait3A_499 : memref<96x64xf32, #tpu.memory_space<hbm>>)
        tpu.yield
      }) : () -> ()
      %add3A_343 = arith.constant 4 : i32
      %add3A_344 = arith.addi %add3A_284, %add3A_343 : i32
      %jit3A_345 = arith.constant 2 : i32
      %div3A_346 = arith.divsi %add3A_344, %jit3A_345 : i32
      %sign3A_347 = arith.constant 0 : i32
      %sign3A_348 = arith.cmpi sgt, %add3A_344, %sign3A_347 : i32
      %sign3A_349 = arith.extui %sign3A_348 : i1 to i32
      %sign3A_350 = arith.constant 0 : i32
      %sign3A_351 = arith.cmpi slt, %add3A_344, %sign3A_350 : i32
      %sign3A_352 = arith.extui %sign3A_351 : i1 to i32
      %sign3A_353 = arith.subi %sign3A_349, %sign3A_352 : i32
      %sign3A_354 = arith.constant 0 : i32
      %sign3A_355 = arith.cmpi sgt, %jit3A_345, %sign3A_354 : i32
      %sign3A_356 = arith.extui %sign3A_355 : i1 to i32
      %sign3A_357 = arith.constant 0 : i32
      %sign3A_358 = arith.cmpi slt, %jit3A_345, %sign3A_357 : i32
      %sign3A_359 = arith.extui %sign3A_358 : i1 to i32
      %sign3A_360 = arith.subi %sign3A_356, %sign3A_359 : i32
      %ne3A_361 = arith.cmpi ne, %sign3A_353, %sign3A_360 : i32
      %rem3A_362 = arith.remsi %add3A_344, %jit3A_345 : i32
      %ne3A_363 = arith.constant 0 : i32
      %ne3A_364 = arith.cmpi ne, %rem3A_362, %ne3A_363 : i32
      %and3A_365 = arith.andi %ne3A_361, %ne3A_364 : i1
      %sub3A_366 = arith.constant 1 : i32
      %sub3A_367 = arith.subi %div3A_346, %sub3A_366 : i32
      %select_n3A_368 = arith.select %and3A_365, %sub3A_367, %div3A_346 : i32
      %dma_start3A_369 = arith.constant 0 : i32
      %dma_start3A_370 = arith.constant 0 : i32
      %dma_start3A_371 = tpu.memref_slice %arg8[%dma_start3A_369, %dma_start3A_370] : memref<104x64xf32, #tpu.memory_space<vmem>> -> memref<96x64xf32, #tpu.memory_space<vmem>>
      %dma_start3A_372 = arith.constant 0 : i32
      %dma_start3A_373 = tpu.memref_slice %arg5[%select_n3A_368, %dma_start3A_372] : memref<32x256xi32, #tpu.memory_space<vmem>> -> memref<1x96xi32, #tpu.memory_space<vmem>>
      %dma_start3A_374 = tpu.memref_squeeze %dma_start3A_373 : memref<1x96xi32, #tpu.memory_space<vmem>> -> memref<96xi32, #tpu.memory_space<vmem>>
      %dma_start3A_375 = arith.constant 0 : i32
      %dma_start3A_376 = arith.constant 0 : i32
      %dma_start3A_377 = tpu.memref_slice %arg2[%dma_start3A_375, %dma_start3A_376] : memref<1000000x64xf32, #tpu.memory_space<hbm>> -> memref<1000000x64xf32, #tpu.memory_space<hbm>>
      tpu.enqueue_indirect_dma source(%dma_start3A_377 : memref<1000000x64xf32, #tpu.memory_space<hbm>>) target(%dma_start3A_371 : memref<96x64xf32, #tpu.memory_space<vmem>>) offsets(%dma_start3A_374 : memref<96xi32, #tpu.memory_space<vmem>>) semaphore(%arg12 : memref<!tpu.dma_semaphore, #tpu.memory_space<semaphore_mem>>)
      %mul3A_378 = arith.constant 4 : i32
      %mul3A_379 = arith.muli %scan3A_94, %mul3A_378 : i32
      %add3A_380 = arith.constant 3 : i32
      %add3A_381 = arith.addi %mul3A_379, %add3A_380 : i32
      %jit3A_382 = arith.constant 2 : i32
      %div3A_383 = arith.divsi %add3A_381, %jit3A_382 : i32
      %sign3A_384 = arith.constant 0 : i32
      %sign3A_385 = arith.cmpi sgt, %add3A_381, %sign3A_384 : i32
      %sign3A_386 = arith.extui %sign3A_385 : i1 to i32
      %sign3A_387 = arith.constant 0 : i32
      %sign3A_388 = arith.cmpi slt, %add3A_381, %sign3A_387 : i32
      %sign3A_389 = arith.extui %sign3A_388 : i1 to i32
      %sign3A_390 = arith.subi %sign3A_386, %sign3A_389 : i32
      %sign3A_391 = arith.constant 0 : i32
      %sign3A_392 = arith.cmpi sgt, %jit3A_382, %sign3A_391 : i32
      %sign3A_393 = arith.extui %sign3A_392 : i1 to i32
      %sign3A_394 = arith.constant 0 : i32
      %sign3A_395 = arith.cmpi slt, %jit3A_382, %sign3A_394 : i32
      %sign3A_396 = arith.extui %sign3A_395 : i1 to i32
      %sign3A_397 = arith.subi %sign3A_393, %sign3A_396 : i32
      %ne3A_398 = arith.cmpi ne, %sign3A_390, %sign3A_397 : i32
      %rem3A_399 = arith.remsi %add3A_381, %jit3A_382 : i32
      %ne3A_400 = arith.constant 0 : i32
      %ne3A_401 = arith.cmpi ne, %rem3A_399, %ne3A_400 : i32
      %and3A_402 = arith.andi %ne3A_398, %ne3A_401 : i1
      %sub3A_403 = arith.constant 1 : i32
      %sub3A_404 = arith.subi %div3A_383, %sub3A_403 : i32
      %select_n3A_405 = arith.select %and3A_402, %sub3A_404, %div3A_383 : i32
      %dma_wait3A_406 = arith.constant 0 : i32
      %dma_wait3A_407 = arith.constant 0 : i32
      %dma_wait3A_408 = tpu.memref_slice %arg9[%dma_wait3A_406, %dma_wait3A_407] : memref<104x64xf32, #tpu.memory_space<vmem>> -> memref<104x64xf32, #tpu.memory_space<vmem>>
      %dma_wait3A_409 = arith.constant 96 : i32
      %dma_wait3A_410 = tpu.memref_slice %arg5[%select_n3A_405, %dma_wait3A_409] : memref<32x256xi32, #tpu.memory_space<vmem>> -> memref<1x104xi32, #tpu.memory_space<vmem>>
      %dma_wait3A_411 = tpu.memref_squeeze %dma_wait3A_410 : memref<1x104xi32, #tpu.memory_space<vmem>> -> memref<104xi32, #tpu.memory_space<vmem>>
      %dma_wait3A_412 = arith.constant 0 : i32
      %dma_wait3A_413 = arith.constant 0 : i32
      %dma_wait3A_414 = tpu.memref_slice %arg2[%dma_wait3A_412, %dma_wait3A_413] : memref<1000000x64xf32, #tpu.memory_space<hbm>> -> memref<1000000x64xf32, #tpu.memory_space<hbm>>
      tpu.wait_indirect_dma semaphore(%arg13 : memref<!tpu.dma_semaphore, #tpu.memory_space<semaphore_mem>>) src(%dma_wait3A_414 : memref<1000000x64xf32, #tpu.memory_space<hbm>>) dst(%dma_wait3A_408 : memref<104x64xf32, #tpu.memory_space<vmem>>)
      %jit3A_415 = arith.constant 2 : i32
      %div3A_416 = arith.divsi %add3A_381, %jit3A_415 : i32
      %sign3A_417 = arith.constant 0 : i32
      %sign3A_418 = arith.cmpi sgt, %add3A_381, %sign3A_417 : i32
      %sign3A_419 = arith.extui %sign3A_418 : i1 to i32
      %sign3A_420 = arith.constant 0 : i32
      %sign3A_421 = arith.cmpi slt, %add3A_381, %sign3A_420 : i32
      %sign3A_422 = arith.extui %sign3A_421 : i1 to i32
      %sign3A_423 = arith.subi %sign3A_419, %sign3A_422 : i32
      %sign3A_424 = arith.constant 0 : i32
      %sign3A_425 = arith.cmpi sgt, %jit3A_415, %sign3A_424 : i32
      %sign3A_426 = arith.extui %sign3A_425 : i1 to i32
      %sign3A_427 = arith.constant 0 : i32
      %sign3A_428 = arith.cmpi slt, %jit3A_415, %sign3A_427 : i32
      %sign3A_429 = arith.extui %sign3A_428 : i1 to i32
      %sign3A_430 = arith.subi %sign3A_426, %sign3A_429 : i32
      %ne3A_431 = arith.cmpi ne, %sign3A_423, %sign3A_430 : i32
      %rem3A_432 = arith.remsi %add3A_381, %jit3A_415 : i32
      %ne3A_433 = arith.constant 0 : i32
      %ne3A_434 = arith.cmpi ne, %rem3A_432, %ne3A_433 : i32
      %and3A_435 = arith.andi %ne3A_431, %ne3A_434 : i1
      %sub3A_436 = arith.constant 1 : i32
      %sub3A_437 = arith.subi %div3A_416, %sub3A_436 : i32
      %select_n3A_438 = arith.select %and3A_435, %sub3A_437, %div3A_416 : i32
      %add3A_439 = arith.addi %mul3A_2, %select_n3A_438 : i32
      "tpu.region"() ({
        %run_scoped3A = tpu.sem_alloc : memref<!tpu.dma_semaphore, #tpu.memory_space<semaphore_mem>>
        %dma_start3A_475 = arith.constant 0 : i32
        %dma_start3A_476 = arith.constant 0 : i32
        %dma_start3A_477 = tpu.memref_slice %arg9[%dma_start3A_475, %dma_start3A_476] : memref<104x64xf32, #tpu.memory_space<vmem>> -> memref<104x64xf32, #tpu.memory_space<vmem>>
        %dma_start3A_478 = arith.constant 96 : i32
        %dma_start3A_479 = arith.constant 0 : i32
        %dma_start3A_480 = tpu.memref_slice %arg4[%add3A_439, %dma_start3A_478, %dma_start3A_479] : memref<1024x200x64xf32, #tpu.memory_space<hbm>> -> memref<1x104x64xf32, #tpu.memory_space<hbm>>
        %dma_start3A_481 = tpu.memref_squeeze %dma_start3A_480 : memref<1x104x64xf32, #tpu.memory_space<hbm>> -> memref<104x64xf32, #tpu.memory_space<hbm>>
        %dma_start3A_482 = arith.constant 96 : i32
        %dma_start3A_483 = arith.constant 0 : i32
        %dma_start3A_484 = tpu.memref_slice %arg4[%add3A_439, %dma_start3A_482, %dma_start3A_483] : memref<1024x200x64xf32, #tpu.memory_space<hbm>> -> memref<1x104x64xf32, #tpu.memory_space<hbm>>
        %dma_start3A_485 = tpu.memref_squeeze %dma_start3A_484 : memref<1x104x64xf32, #tpu.memory_space<hbm>> -> memref<104x64xf32, #tpu.memory_space<hbm>>
        %dma_start3A_486 = arith.constant 0 : i32
        %dma_start3A_487 = arith.constant 0 : i32
        %dma_start3A_488 = tpu.memref_slice %arg9[%dma_start3A_486, %dma_start3A_487] : memref<104x64xf32, #tpu.memory_space<vmem>> -> memref<104x64xf32, #tpu.memory_space<vmem>>
        tpu.enqueue_dma source(%dma_start3A_488 : memref<104x64xf32, #tpu.memory_space<vmem>>) target(%dma_start3A_485 : memref<104x64xf32, #tpu.memory_space<hbm>>) target_semaphore(%run_scoped3A : memref<!tpu.dma_semaphore, #tpu.memory_space<semaphore_mem>>)
        %dma_wait3A_489 = arith.constant 0 : i32
        %dma_wait3A_490 = arith.constant 0 : i32
        %dma_wait3A_491 = tpu.memref_slice %arg9[%dma_wait3A_489, %dma_wait3A_490] : memref<104x64xf32, #tpu.memory_space<vmem>> -> memref<104x64xf32, #tpu.memory_space<vmem>>
        %dma_wait3A_492 = arith.constant 96 : i32
        %dma_wait3A_493 = arith.constant 0 : i32
        %dma_wait3A_494 = tpu.memref_slice %arg4[%add3A_439, %dma_wait3A_492, %dma_wait3A_493] : memref<1024x200x64xf32, #tpu.memory_space<hbm>> -> memref<1x104x64xf32, #tpu.memory_space<hbm>>
        %dma_wait3A_495 = tpu.memref_squeeze %dma_wait3A_494 : memref<1x104x64xf32, #tpu.memory_space<hbm>> -> memref<104x64xf32, #tpu.memory_space<hbm>>
        %dma_wait3A_496 = arith.constant 96 : i32
        %dma_wait3A_497 = arith.constant 0 : i32
        %dma_wait3A_498 = tpu.memref_slice %arg4[%add3A_439, %dma_wait3A_496, %dma_wait3A_497] : memref<1024x200x64xf32, #tpu.memory_space<hbm>> -> memref<1x104x64xf32, #tpu.memory_space<hbm>>
        %dma_wait3A_499 = tpu.memref_squeeze %dma_wait3A_498 : memref<1x104x64xf32, #tpu.memory_space<hbm>> -> memref<104x64xf32, #tpu.memory_space<hbm>>
        %dma_wait3A_500 = arith.constant 0 : i32
        %dma_wait3A_501 = arith.constant 0 : i32
        %dma_wait3A_502 = tpu.memref_slice %arg9[%dma_wait3A_500, %dma_wait3A_501] : memref<104x64xf32, #tpu.memory_space<vmem>> -> memref<104x64xf32, #tpu.memory_space<vmem>>
        tpu.wait_dma2 semaphore(%run_scoped3A : memref<!tpu.dma_semaphore, #tpu.memory_space<semaphore_mem>>) src(%dma_wait3A_502 : memref<104x64xf32, #tpu.memory_space<vmem>>) dst(%dma_wait3A_499 : memref<104x64xf32, #tpu.memory_space<hbm>>)
        tpu.yield
      }) : () -> ()
      %add3A_440 = arith.constant 4 : i32
      %add3A_441 = arith.addi %add3A_381, %add3A_440 : i32
      %jit3A_442 = arith.constant 2 : i32
      %div3A_443 = arith.divsi %add3A_441, %jit3A_442 : i32
      %sign3A_444 = arith.constant 0 : i32
      %sign3A_445 = arith.cmpi sgt, %add3A_441, %sign3A_444 : i32
      %sign3A_446 = arith.extui %sign3A_445 : i1 to i32
      %sign3A_447 = arith.constant 0 : i32
      %sign3A_448 = arith.cmpi slt, %add3A_441, %sign3A_447 : i32
      %sign3A_449 = arith.extui %sign3A_448 : i1 to i32
      %sign3A_450 = arith.subi %sign3A_446, %sign3A_449 : i32
      %sign3A_451 = arith.constant 0 : i32
      %sign3A_452 = arith.cmpi sgt, %jit3A_442, %sign3A_451 : i32
      %sign3A_453 = arith.extui %sign3A_452 : i1 to i32
      %sign3A_454 = arith.constant 0 : i32
      %sign3A_455 = arith.cmpi slt, %jit3A_442, %sign3A_454 : i32
      %sign3A_456 = arith.extui %sign3A_455 : i1 to i32
      %sign3A_457 = arith.subi %sign3A_453, %sign3A_456 : i32
      %ne3A_458 = arith.cmpi ne, %sign3A_450, %sign3A_457 : i32
      %rem3A_459 = arith.remsi %add3A_441, %jit3A_442 : i32
      %ne3A_460 = arith.constant 0 : i32
      %ne3A_461 = arith.cmpi ne, %rem3A_459, %ne3A_460 : i32
      %and3A_462 = arith.andi %ne3A_458, %ne3A_461 : i1
      %sub3A_463 = arith.constant 1 : i32
      %sub3A_464 = arith.subi %div3A_443, %sub3A_463 : i32
      %select_n3A_465 = arith.select %and3A_462, %sub3A_464, %div3A_443 : i32
      %dma_start3A_466 = arith.constant 0 : i32
      %dma_start3A_467 = arith.constant 0 : i32
      %dma_start3A_468 = tpu.memref_slice %arg9[%dma_start3A_466, %dma_start3A_467] : memref<104x64xf32, #tpu.memory_space<vmem>> -> memref<104x64xf32, #tpu.memory_space<vmem>>
      %dma_start3A_469 = arith.constant 96 : i32
      %dma_start3A_470 = tpu.memref_slice %arg5[%select_n3A_465, %dma_start3A_469] : memref<32x256xi32, #tpu.memory_space<vmem>> -> memref<1x104xi32, #tpu.memory_space<vmem>>
      %dma_start3A_471 = tpu.memref_squeeze %dma_start3A_470 : memref<1x104xi32, #tpu.memory_space<vmem>> -> memref<104xi32, #tpu.memory_space<vmem>>
      %dma_start3A_472 = arith.constant 0 : i32
      %dma_start3A_473 = arith.constant 0 : i32
      %dma_start3A_474 = tpu.memref_slice %arg2[%dma_start3A_472, %dma_start3A_473] : memref<1000000x64xf32, #tpu.memory_space<hbm>> -> memref<1000000x64xf32, #tpu.memory_space<hbm>>
      tpu.enqueue_indirect_dma source(%dma_start3A_474 : memref<1000000x64xf32, #tpu.memory_space<hbm>>) target(%dma_start3A_468 : memref<104x64xf32, #tpu.memory_space<vmem>>) offsets(%dma_start3A_471 : memref<104xi32, #tpu.memory_space<vmem>>) semaphore(%arg13 : memref<!tpu.dma_semaphore, #tpu.memory_space<semaphore_mem>>)
    }
    %scan3A_46 = arith.constant 15 : i32
    %dma_wait3A = arith.constant 30 : i32
    %dma_wait3A_47 = arith.constant 0 : i32
    %dma_wait3A_48 = arith.constant 0 : i32
    %dma_wait3A_49 = tpu.memref_slice %arg6[%dma_wait3A_47, %dma_wait3A_48] : memref<104x64xf32, #tpu.memory_space<vmem>> -> memref<96x64xf32, #tpu.memory_space<vmem>>
    %dma_wait3A_50 = arith.constant 0 : i32
    %dma_wait3A_51 = tpu.memref_slice %arg5[%dma_wait3A, %dma_wait3A_50] : memref<32x256xi32, #tpu.memory_space<vmem>> -> memref<1x96xi32, #tpu.memory_space<vmem>>
    %dma_wait3A_52 = tpu.memref_squeeze %dma_wait3A_51 : memref<1x96xi32, #tpu.memory_space<vmem>> -> memref<96xi32, #tpu.memory_space<vmem>>
    %dma_wait3A_53 = arith.constant 0 : i32
    %dma_wait3A_54 = arith.constant 0 : i32
    %dma_wait3A_55 = tpu.memref_slice %arg2[%dma_wait3A_53, %dma_wait3A_54] : memref<1000000x64xf32, #tpu.memory_space<hbm>> -> memref<1000000x64xf32, #tpu.memory_space<hbm>>
    tpu.wait_indirect_dma semaphore(%arg10 : memref<!tpu.dma_semaphore, #tpu.memory_space<semaphore_mem>>) src(%dma_wait3A_55 : memref<1000000x64xf32, #tpu.memory_space<hbm>>) dst(%dma_wait3A_49 : memref<96x64xf32, #tpu.memory_space<vmem>>)
    %add3A_56 = arith.constant 30 : i32
    %add3A_57 = arith.addi %mul3A_2, %add3A_56 : i32
    "tpu.region"() ({
      %run_scoped3A = tpu.sem_alloc : memref<!tpu.dma_semaphore, #tpu.memory_space<semaphore_mem>>
      %dma_start3A_94 = arith.constant 0 : i32
      %dma_start3A_95 = arith.constant 0 : i32
      %dma_start3A_96 = tpu.memref_slice %arg6[%dma_start3A_94, %dma_start3A_95] : memref<104x64xf32, #tpu.memory_space<vmem>> -> memref<96x64xf32, #tpu.memory_space<vmem>>
      %dma_start3A_97 = arith.constant 0 : i32
      %dma_start3A_98 = arith.constant 0 : i32
      %dma_start3A_99 = tpu.memref_slice %arg4[%add3A_57, %dma_start3A_97, %dma_start3A_98] : memref<1024x200x64xf32, #tpu.memory_space<hbm>> -> memref<1x96x64xf32, #tpu.memory_space<hbm>>
      %dma_start3A_100 = tpu.memref_squeeze %dma_start3A_99 : memref<1x96x64xf32, #tpu.memory_space<hbm>> -> memref<96x64xf32, #tpu.memory_space<hbm>>
      %dma_start3A_101 = arith.constant 0 : i32
      %dma_start3A_102 = arith.constant 0 : i32
      %dma_start3A_103 = tpu.memref_slice %arg4[%add3A_57, %dma_start3A_101, %dma_start3A_102] : memref<1024x200x64xf32, #tpu.memory_space<hbm>> -> memref<1x96x64xf32, #tpu.memory_space<hbm>>
      %dma_start3A_104 = tpu.memref_squeeze %dma_start3A_103 : memref<1x96x64xf32, #tpu.memory_space<hbm>> -> memref<96x64xf32, #tpu.memory_space<hbm>>
      %dma_start3A_105 = arith.constant 0 : i32
      %dma_start3A_106 = arith.constant 0 : i32
      %dma_start3A_107 = tpu.memref_slice %arg6[%dma_start3A_105, %dma_start3A_106] : memref<104x64xf32, #tpu.memory_space<vmem>> -> memref<96x64xf32, #tpu.memory_space<vmem>>
      tpu.enqueue_dma source(%dma_start3A_107 : memref<96x64xf32, #tpu.memory_space<vmem>>) target(%dma_start3A_104 : memref<96x64xf32, #tpu.memory_space<hbm>>) target_semaphore(%run_scoped3A : memref<!tpu.dma_semaphore, #tpu.memory_space<semaphore_mem>>)
      %dma_wait3A_108 = arith.constant 0 : i32
      %dma_wait3A_109 = arith.constant 0 : i32
      %dma_wait3A_110 = tpu.memref_slice %arg6[%dma_wait3A_108, %dma_wait3A_109] : memref<104x64xf32, #tpu.memory_space<vmem>> -> memref<96x64xf32, #tpu.memory_space<vmem>>
      %dma_wait3A_111 = arith.constant 0 : i32
      %dma_wait3A_112 = arith.constant 0 : i32
      %dma_wait3A_113 = tpu.memref_slice %arg4[%add3A_57, %dma_wait3A_111, %dma_wait3A_112] : memref<1024x200x64xf32, #tpu.memory_space<hbm>> -> memref<1x96x64xf32, #tpu.memory_space<hbm>>
      %dma_wait3A_114 = tpu.memref_squeeze %dma_wait3A_113 : memref<1x96x64xf32, #tpu.memory_space<hbm>> -> memref<96x64xf32, #tpu.memory_space<hbm>>
      %dma_wait3A_115 = arith.constant 0 : i32
      %dma_wait3A_116 = arith.constant 0 : i32
      %dma_wait3A_117 = tpu.memref_slice %arg4[%add3A_57, %dma_wait3A_115, %dma_wait3A_116] : memref<1024x200x64xf32, #tpu.memory_space<hbm>> -> memref<1x96x64xf32, #tpu.memory_space<hbm>>
      %dma_wait3A_118 = tpu.memref_squeeze %dma_wait3A_117 : memref<1x96x64xf32, #tpu.memory_space<hbm>> -> memref<96x64xf32, #tpu.memory_space<hbm>>
      %dma_wait3A_119 = arith.constant 0 : i32
      %dma_wait3A_120 = arith.constant 0 : i32
      %dma_wait3A_121 = tpu.memref_slice %arg6[%dma_wait3A_119, %dma_wait3A_120] : memref<104x64xf32, #tpu.memory_space<vmem>> -> memref<96x64xf32, #tpu.memory_space<vmem>>
      tpu.wait_dma2 semaphore(%run_scoped3A : memref<!tpu.dma_semaphore, #tpu.memory_space<semaphore_mem>>) src(%dma_wait3A_121 : memref<96x64xf32, #tpu.memory_space<vmem>>) dst(%dma_wait3A_118 : memref<96x64xf32, #tpu.memory_space<hbm>>)
      tpu.yield
    }) : () -> ()
    %dma_wait3A_58 = arith.constant 30 : i32
    %dma_wait3A_59 = arith.constant 0 : i32
    %dma_wait3A_60 = arith.constant 0 : i32
    %dma_wait3A_61 = tpu.memref_slice %arg7[%dma_wait3A_59, %dma_wait3A_60] : memref<104x64xf32, #tpu.memory_space<vmem>> -> memref<104x64xf32, #tpu.memory_space<vmem>>
    %dma_wait3A_62 = arith.constant 96 : i32
    %dma_wait3A_63 = tpu.memref_slice %arg5[%dma_wait3A_58, %dma_wait3A_62] : memref<32x256xi32, #tpu.memory_space<vmem>> -> memref<1x104xi32, #tpu.memory_space<vmem>>
    %dma_wait3A_64 = tpu.memref_squeeze %dma_wait3A_63 : memref<1x104xi32, #tpu.memory_space<vmem>> -> memref<104xi32, #tpu.memory_space<vmem>>
    %dma_wait3A_65 = arith.constant 0 : i32
    %dma_wait3A_66 = arith.constant 0 : i32
    %dma_wait3A_67 = tpu.memref_slice %arg2[%dma_wait3A_65, %dma_wait3A_66] : memref<1000000x64xf32, #tpu.memory_space<hbm>> -> memref<1000000x64xf32, #tpu.memory_space<hbm>>
    tpu.wait_indirect_dma semaphore(%arg11 : memref<!tpu.dma_semaphore, #tpu.memory_space<semaphore_mem>>) src(%dma_wait3A_67 : memref<1000000x64xf32, #tpu.memory_space<hbm>>) dst(%dma_wait3A_61 : memref<104x64xf32, #tpu.memory_space<vmem>>)
    %add3A_68 = arith.constant 30 : i32
    %add3A_69 = arith.addi %mul3A_2, %add3A_68 : i32
    "tpu.region"() ({
      %run_scoped3A = tpu.sem_alloc : memref<!tpu.dma_semaphore, #tpu.memory_space<semaphore_mem>>
      %dma_start3A_94 = arith.constant 0 : i32
      %dma_start3A_95 = arith.constant 0 : i32
      %dma_start3A_96 = tpu.memref_slice %arg7[%dma_start3A_94, %dma_start3A_95] : memref<104x64xf32, #tpu.memory_space<vmem>> -> memref<104x64xf32, #tpu.memory_space<vmem>>
      %dma_start3A_97 = arith.constant 96 : i32
      %dma_start3A_98 = arith.constant 0 : i32
      %dma_start3A_99 = tpu.memref_slice %arg4[%add3A_69, %dma_start3A_97, %dma_start3A_98] : memref<1024x200x64xf32, #tpu.memory_space<hbm>> -> memref<1x104x64xf32, #tpu.memory_space<hbm>>
      %dma_start3A_100 = tpu.memref_squeeze %dma_start3A_99 : memref<1x104x64xf32, #tpu.memory_space<hbm>> -> memref<104x64xf32, #tpu.memory_space<hbm>>
      %dma_start3A_101 = arith.constant 96 : i32
      %dma_start3A_102 = arith.constant 0 : i32
      %dma_start3A_103 = tpu.memref_slice %arg4[%add3A_69, %dma_start3A_101, %dma_start3A_102] : memref<1024x200x64xf32, #tpu.memory_space<hbm>> -> memref<1x104x64xf32, #tpu.memory_space<hbm>>
      %dma_start3A_104 = tpu.memref_squeeze %dma_start3A_103 : memref<1x104x64xf32, #tpu.memory_space<hbm>> -> memref<104x64xf32, #tpu.memory_space<hbm>>
      %dma_start3A_105 = arith.constant 0 : i32
      %dma_start3A_106 = arith.constant 0 : i32
      %dma_start3A_107 = tpu.memref_slice %arg7[%dma_start3A_105, %dma_start3A_106] : memref<104x64xf32, #tpu.memory_space<vmem>> -> memref<104x64xf32, #tpu.memory_space<vmem>>
      tpu.enqueue_dma source(%dma_start3A_107 : memref<104x64xf32, #tpu.memory_space<vmem>>) target(%dma_start3A_104 : memref<104x64xf32, #tpu.memory_space<hbm>>) target_semaphore(%run_scoped3A : memref<!tpu.dma_semaphore, #tpu.memory_space<semaphore_mem>>)
      %dma_wait3A_108 = arith.constant 0 : i32
      %dma_wait3A_109 = arith.constant 0 : i32
      %dma_wait3A_110 = tpu.memref_slice %arg7[%dma_wait3A_108, %dma_wait3A_109] : memref<104x64xf32, #tpu.memory_space<vmem>> -> memref<104x64xf32, #tpu.memory_space<vmem>>
      %dma_wait3A_111 = arith.constant 96 : i32
      %dma_wait3A_112 = arith.constant 0 : i32
      %dma_wait3A_113 = tpu.memref_slice %arg4[%add3A_69, %dma_wait3A_111, %dma_wait3A_112] : memref<1024x200x64xf32, #tpu.memory_space<hbm>> -> memref<1x104x64xf32, #tpu.memory_space<hbm>>
      %dma_wait3A_114 = tpu.memref_squeeze %dma_wait3A_113 : memref<1x104x64xf32, #tpu.memory_space<hbm>> -> memref<104x64xf32, #tpu.memory_space<hbm>>
      %dma_wait3A_115 = arith.constant 96 : i32
      %dma_wait3A_116 = arith.constant 0 : i32
      %dma_wait3A_117 = tpu.memref_slice %arg4[%add3A_69, %dma_wait3A_115, %dma_wait3A_116] : memref<1024x200x64xf32, #tpu.memory_space<hbm>> -> memref<1x104x64xf32, #tpu.memory_space<hbm>>
      %dma_wait3A_118 = tpu.memref_squeeze %dma_wait3A_117 : memref<1x104x64xf32, #tpu.memory_space<hbm>> -> memref<104x64xf32, #tpu.memory_space<hbm>>
      %dma_wait3A_119 = arith.constant 0 : i32
      %dma_wait3A_120 = arith.constant 0 : i32
      %dma_wait3A_121 = tpu.memref_slice %arg7[%dma_wait3A_119, %dma_wait3A_120] : memref<104x64xf32, #tpu.memory_space<vmem>> -> memref<104x64xf32, #tpu.memory_space<vmem>>
      tpu.wait_dma2 semaphore(%run_scoped3A : memref<!tpu.dma_semaphore, #tpu.memory_space<semaphore_mem>>) src(%dma_wait3A_121 : memref<104x64xf32, #tpu.memory_space<vmem>>) dst(%dma_wait3A_118 : memref<104x64xf32, #tpu.memory_space<hbm>>)
      tpu.yield
    }) : () -> ()
    %dma_wait3A_70 = arith.constant 31 : i32
    %dma_wait3A_71 = arith.constant 0 : i32
    %dma_wait3A_72 = arith.constant 0 : i32
    %dma_wait3A_73 = tpu.memref_slice %arg8[%dma_wait3A_71, %dma_wait3A_72] : memref<104x64xf32, #tpu.memory_space<vmem>> -> memref<96x64xf32, #tpu.memory_space<vmem>>
    %dma_wait3A_74 = arith.constant 0 : i32
    %dma_wait3A_75 = tpu.memref_slice %arg5[%dma_wait3A_70, %dma_wait3A_74] : memref<32x256xi32, #tpu.memory_space<vmem>> -> memref<1x96xi32, #tpu.memory_space<vmem>>
    %dma_wait3A_76 = tpu.memref_squeeze %dma_wait3A_75 : memref<1x96xi32, #tpu.memory_space<vmem>> -> memref<96xi32, #tpu.memory_space<vmem>>
    %dma_wait3A_77 = arith.constant 0 : i32
    %dma_wait3A_78 = arith.constant 0 : i32
    %dma_wait3A_79 = tpu.memref_slice %arg2[%dma_wait3A_77, %dma_wait3A_78] : memref<1000000x64xf32, #tpu.memory_space<hbm>> -> memref<1000000x64xf32, #tpu.memory_space<hbm>>
    tpu.wait_indirect_dma semaphore(%arg12 : memref<!tpu.dma_semaphore, #tpu.memory_space<semaphore_mem>>) src(%dma_wait3A_79 : memref<1000000x64xf32, #tpu.memory_space<hbm>>) dst(%dma_wait3A_73 : memref<96x64xf32, #tpu.memory_space<vmem>>)
    %add3A_80 = arith.constant 31 : i32
    %add3A_81 = arith.addi %mul3A_2, %add3A_80 : i32
    "tpu.region"() ({
      %run_scoped3A = tpu.sem_alloc : memref<!tpu.dma_semaphore, #tpu.memory_space<semaphore_mem>>
      %dma_start3A_94 = arith.constant 0 : i32
      %dma_start3A_95 = arith.constant 0 : i32
      %dma_start3A_96 = tpu.memref_slice %arg8[%dma_start3A_94, %dma_start3A_95] : memref<104x64xf32, #tpu.memory_space<vmem>> -> memref<96x64xf32, #tpu.memory_space<vmem>>
      %dma_start3A_97 = arith.constant 0 : i32
      %dma_start3A_98 = arith.constant 0 : i32
      %dma_start3A_99 = tpu.memref_slice %arg4[%add3A_81, %dma_start3A_97, %dma_start3A_98] : memref<1024x200x64xf32, #tpu.memory_space<hbm>> -> memref<1x96x64xf32, #tpu.memory_space<hbm>>
      %dma_start3A_100 = tpu.memref_squeeze %dma_start3A_99 : memref<1x96x64xf32, #tpu.memory_space<hbm>> -> memref<96x64xf32, #tpu.memory_space<hbm>>
      %dma_start3A_101 = arith.constant 0 : i32
      %dma_start3A_102 = arith.constant 0 : i32
      %dma_start3A_103 = tpu.memref_slice %arg4[%add3A_81, %dma_start3A_101, %dma_start3A_102] : memref<1024x200x64xf32, #tpu.memory_space<hbm>> -> memref<1x96x64xf32, #tpu.memory_space<hbm>>
      %dma_start3A_104 = tpu.memref_squeeze %dma_start3A_103 : memref<1x96x64xf32, #tpu.memory_space<hbm>> -> memref<96x64xf32, #tpu.memory_space<hbm>>
      %dma_start3A_105 = arith.constant 0 : i32
      %dma_start3A_106 = arith.constant 0 : i32
      %dma_start3A_107 = tpu.memref_slice %arg8[%dma_start3A_105, %dma_start3A_106] : memref<104x64xf32, #tpu.memory_space<vmem>> -> memref<96x64xf32, #tpu.memory_space<vmem>>
      tpu.enqueue_dma source(%dma_start3A_107 : memref<96x64xf32, #tpu.memory_space<vmem>>) target(%dma_start3A_104 : memref<96x64xf32, #tpu.memory_space<hbm>>) target_semaphore(%run_scoped3A : memref<!tpu.dma_semaphore, #tpu.memory_space<semaphore_mem>>)
      %dma_wait3A_108 = arith.constant 0 : i32
      %dma_wait3A_109 = arith.constant 0 : i32
      %dma_wait3A_110 = tpu.memref_slice %arg8[%dma_wait3A_108, %dma_wait3A_109] : memref<104x64xf32, #tpu.memory_space<vmem>> -> memref<96x64xf32, #tpu.memory_space<vmem>>
      %dma_wait3A_111 = arith.constant 0 : i32
      %dma_wait3A_112 = arith.constant 0 : i32
      %dma_wait3A_113 = tpu.memref_slice %arg4[%add3A_81, %dma_wait3A_111, %dma_wait3A_112] : memref<1024x200x64xf32, #tpu.memory_space<hbm>> -> memref<1x96x64xf32, #tpu.memory_space<hbm>>
      %dma_wait3A_114 = tpu.memref_squeeze %dma_wait3A_113 : memref<1x96x64xf32, #tpu.memory_space<hbm>> -> memref<96x64xf32, #tpu.memory_space<hbm>>
      %dma_wait3A_115 = arith.constant 0 : i32
      %dma_wait3A_116 = arith.constant 0 : i32
      %dma_wait3A_117 = tpu.memref_slice %arg4[%add3A_81, %dma_wait3A_115, %dma_wait3A_116] : memref<1024x200x64xf32, #tpu.memory_space<hbm>> -> memref<1x96x64xf32, #tpu.memory_space<hbm>>
      %dma_wait3A_118 = tpu.memref_squeeze %dma_wait3A_117 : memref<1x96x64xf32, #tpu.memory_space<hbm>> -> memref<96x64xf32, #tpu.memory_space<hbm>>
      %dma_wait3A_119 = arith.constant 0 : i32
      %dma_wait3A_120 = arith.constant 0 : i32
      %dma_wait3A_121 = tpu.memref_slice %arg8[%dma_wait3A_119, %dma_wait3A_120] : memref<104x64xf32, #tpu.memory_space<vmem>> -> memref<96x64xf32, #tpu.memory_space<vmem>>
      tpu.wait_dma2 semaphore(%run_scoped3A : memref<!tpu.dma_semaphore, #tpu.memory_space<semaphore_mem>>) src(%dma_wait3A_121 : memref<96x64xf32, #tpu.memory_space<vmem>>) dst(%dma_wait3A_118 : memref<96x64xf32, #tpu.memory_space<hbm>>)
      tpu.yield
    }) : () -> ()
    %dma_wait3A_82 = arith.constant 31 : i32
    %dma_wait3A_83 = arith.constant 0 : i32
    %dma_wait3A_84 = arith.constant 0 : i32
    %dma_wait3A_85 = tpu.memref_slice %arg9[%dma_wait3A_83, %dma_wait3A_84] : memref<104x64xf32, #tpu.memory_space<vmem>> -> memref<104x64xf32, #tpu.memory_space<vmem>>
    %dma_wait3A_86 = arith.constant 96 : i32
    %dma_wait3A_87 = tpu.memref_slice %arg5[%dma_wait3A_82, %dma_wait3A_86] : memref<32x256xi32, #tpu.memory_space<vmem>> -> memref<1x104xi32, #tpu.memory_space<vmem>>
    %dma_wait3A_88 = tpu.memref_squeeze %dma_wait3A_87 : memref<1x104xi32, #tpu.memory_space<vmem>> -> memref<104xi32, #tpu.memory_space<vmem>>
    %dma_wait3A_89 = arith.constant 0 : i32
    %dma_wait3A_90 = arith.constant 0 : i32
    %dma_wait3A_91 = tpu.memref_slice %arg2[%dma_wait3A_89, %dma_wait3A_90] : memref<1000000x64xf32, #tpu.memory_space<hbm>> -> memref<1000000x64xf32, #tpu.memory_space<hbm>>
    tpu.wait_indirect_dma semaphore(%arg13 : memref<!tpu.dma_semaphore, #tpu.memory_space<semaphore_mem>>) src(%dma_wait3A_91 : memref<1000000x64xf32, #tpu.memory_space<hbm>>) dst(%dma_wait3A_85 : memref<104x64xf32, #tpu.memory_space<vmem>>)
    %add3A_92 = arith.constant 31 : i32
    %add3A_93 = arith.addi %mul3A_2, %add3A_92 : i32
    "tpu.region"() ({
      %run_scoped3A = tpu.sem_alloc : memref<!tpu.dma_semaphore, #tpu.memory_space<semaphore_mem>>
      %dma_start3A_94 = arith.constant 0 : i32
      %dma_start3A_95 = arith.constant 0 : i32
      %dma_start3A_96 = tpu.memref_slice %arg9[%dma_start3A_94, %dma_start3A_95] : memref<104x64xf32, #tpu.memory_space<vmem>> -> memref<104x64xf32, #tpu.memory_space<vmem>>
      %dma_start3A_97 = arith.constant 96 : i32
      %dma_start3A_98 = arith.constant 0 : i32
      %dma_start3A_99 = tpu.memref_slice %arg4[%add3A_93, %dma_start3A_97, %dma_start3A_98] : memref<1024x200x64xf32, #tpu.memory_space<hbm>> -> memref<1x104x64xf32, #tpu.memory_space<hbm>>
      %dma_start3A_100 = tpu.memref_squeeze %dma_start3A_99 : memref<1x104x64xf32, #tpu.memory_space<hbm>> -> memref<104x64xf32, #tpu.memory_space<hbm>>
      %dma_start3A_101 = arith.constant 96 : i32
      %dma_start3A_102 = arith.constant 0 : i32
      %dma_start3A_103 = tpu.memref_slice %arg4[%add3A_93, %dma_start3A_101, %dma_start3A_102] : memref<1024x200x64xf32, #tpu.memory_space<hbm>> -> memref<1x104x64xf32, #tpu.memory_space<hbm>>
      %dma_start3A_104 = tpu.memref_squeeze %dma_start3A_103 : memref<1x104x64xf32, #tpu.memory_space<hbm>> -> memref<104x64xf32, #tpu.memory_space<hbm>>
      %dma_start3A_105 = arith.constant 0 : i32
      %dma_start3A_106 = arith.constant 0 : i32
      %dma_start3A_107 = tpu.memref_slice %arg9[%dma_start3A_105, %dma_start3A_106] : memref<104x64xf32, #tpu.memory_space<vmem>> -> memref<104x64xf32, #tpu.memory_space<vmem>>
      tpu.enqueue_dma source(%dma_start3A_107 : memref<104x64xf32, #tpu.memory_space<vmem>>) target(%dma_start3A_104 : memref<104x64xf32, #tpu.memory_space<hbm>>) target_semaphore(%run_scoped3A : memref<!tpu.dma_semaphore, #tpu.memory_space<semaphore_mem>>)
      %dma_wait3A_108 = arith.constant 0 : i32
      %dma_wait3A_109 = arith.constant 0 : i32
      %dma_wait3A_110 = tpu.memref_slice %arg9[%dma_wait3A_108, %dma_wait3A_109] : memref<104x64xf32, #tpu.memory_space<vmem>> -> memref<104x64xf32, #tpu.memory_space<vmem>>
      %dma_wait3A_111 = arith.constant 96 : i32
      %dma_wait3A_112 = arith.constant 0 : i32
      %dma_wait3A_113 = tpu.memref_slice %arg4[%add3A_93, %dma_wait3A_111, %dma_wait3A_112] : memref<1024x200x64xf32, #tpu.memory_space<hbm>> -> memref<1x104x64xf32, #tpu.memory_space<hbm>>
      %dma_wait3A_114 = tpu.memref_squeeze %dma_wait3A_113 : memref<1x104x64xf32, #tpu.memory_space<hbm>> -> memref<104x64xf32, #tpu.memory_space<hbm>>
      %dma_wait3A_115 = arith.constant 96 : i32
      %dma_wait3A_116 = arith.constant 0 : i32
      %dma_wait3A_117 = tpu.memref_slice %arg4[%add3A_93, %dma_wait3A_115, %dma_wait3A_116] : memref<1024x200x64xf32, #tpu.memory_space<hbm>> -> memref<1x104x64xf32, #tpu.memory_space<hbm>>
      %dma_wait3A_118 = tpu.memref_squeeze %dma_wait3A_117 : memref<1x104x64xf32, #tpu.memory_space<hbm>> -> memref<104x64xf32, #tpu.memory_space<hbm>>
      %dma_wait3A_119 = arith.constant 0 : i32
      %dma_wait3A_120 = arith.constant 0 : i32
      %dma_wait3A_121 = tpu.memref_slice %arg9[%dma_wait3A_119, %dma_wait3A_120] : memref<104x64xf32, #tpu.memory_space<vmem>> -> memref<104x64xf32, #tpu.memory_space<vmem>>
      tpu.wait_dma2 semaphore(%run_scoped3A : memref<!tpu.dma_semaphore, #tpu.memory_space<semaphore_mem>>) src(%dma_wait3A_121 : memref<104x64xf32, #tpu.memory_space<vmem>>) dst(%dma_wait3A_118 : memref<104x64xf32, #tpu.memory_space<hbm>>)
      tpu.yield
    }) : () -> ()
    return
  }
}

</mosaic_0001>

<sc_bundles>
// kernel: _lookup.3.cloned.1.call-start
scs
__scs_entry_jumppad:
0x0: {  	(pc) =	sbr.rel $0x88, $3  }
0x1: {  	(tag) =	ssettag $0x0;
	lr =	simm.s32 $0x1  }
0x2: {  	[smem:$0x3F9F] =	sst lr;
	_ =	strace $0xD0000000  }
0x3: {  	_ = 	snop  }
0x4: {  	_ = 	snop  }
0x5: {  	_ = 	snop  }
0x6: {  	_ = 	snop  }
0x7: {  	_ = 	snop  }
__scs_overlays_trampoline_lowered:
0x8: {  	[smem:$0x3FAE] =	sst s0  }
0x9: {  	[smem:$0x3FAF] =	sst s1  }
0xa: {  	[smem:$0x3FB0] =	sst s2  }
0xb: {  	[smem:$0x3FB1] =	sst s3  }
0xc: {  	[smem:$0x3FB2] =	sst s4  }
0xd: {  	[smem:$0x3FB3] =	sst s5  }
0xe: {  	[smem:$0x3FB4] =	sst s6  }
0xf: {  	[smem:$0x3FB5] =	sst s7  }
0x10: {  	[smem:$0x3FB6] =	sst s8  }
0x11: {  	[smem:$0x3FB7] =	sst s9;
	s0 =	simm.s32 @!p0 $0x0  }
0x12: {  	s1 =	sld [smem:$0x3F9D];
	s0 =	simm.s32 @p0 $0x1  }
0x13: {  	[smem:$0x3FB8] =	sst s0;
	s0 =	simm.s32 @!p1 $0x0  }
0x14: {  	s2 =	sld [smem:$0x3F9C];
	s0 =	simm.s32 @p1 $0x1  }
0x15: {  	[smem:$0x3FB9] =	sst s0;
	s0 =	simm.s32 @!p2 $0x0  }
0x16: {  	s3 =	sld [smem:$0x3FDB];
	s0 =	simm.s32 @p2 $0x1  }
0x17: {  	s4 =	simm.s32 $0x1BF5;
	[smem:$0x3FBB] =	sst s0  }
0x18: {  	s0 =	sld [smem:$0x3F9E];
	_ =	swait.ge [sflag:s4], $0x0  }
0x19: {  	s7 =	sld [smem:$0x3F9F]  }
0x1a: {  	s8 =	sadd.s32 $0xFFFFE003, lr  }
0x1b: {  	s9 =	sadd.s32 $0xFFFFFEF7, lr;
	s5 =	simm.s32 $0xFFFFFFFF;
	p2 =	slt.u32 s8, $0xFFFFF086  }
0x1c: {  	p1 =	slt.u32 s9, $0xF7A;
	s5 =	simm.s32 @!p2 $0x0  }
0x1d: {  	s5 =	simm.s32 @p1 $0x1;
	p0 =	seq.s32 s7, s2  }
0x1e: {  	s7 =	smul.u32 @!p0 $0xF7A, s2;
	p2 =	seq.s32 @!p0 s5, $0x0  }
0x1f: {  	s9 =	smul.u32 $0xF7A, s1;
	s8 =	simm.s32 @!p0 $0x1BF5;
	p2 =	por !p2, p0  }
0x20: {  	[sflag:s8] =	ssyncset.s32 @!p0 $0xFFFFF086;
	s6 =	sadd.s32 @!p0 s3, s7;
	s7 =	simm.s32 @!p0 $0x108  }
0x21: {  	s3 =	sadd.s32 s3, s9;
	s6 =	sadd.s32 @!p0 $0x88, s6;
	s7 =	simm.s32 @p2 $0x1082  }
0x22: {  	[simem:s7], [sflag:s8] =	dma.local @!p0 [hbm:s6], $0xF7A  }
0x23: {  	s9 =	sor.u32 $0xD0000000, s2;
	s6 =	simm.s32 $0x108;
	_ =	swait.ge @!p0 [sflag:s8], $0x0  }
0x24: {  	s3 =	sadd.s32 $0x88, s3;
	s6 =	simm.s32 @!p1 $0x1082;
	[sflag:s4] =	ssyncset.s32 $0xFFFFF086  }
0x25: {  	[simem:s6], [sflag:s4] =	dma.local [hbm:s3], $0xF7A  }
0x26: {  	[smem:$0x3F9F] =	sst s1;
	(tag) =	ssettag s2;
	_ =	strace s9  }
0x27: {  	s1 =	sld [smem:$0x3FAF]  }
0x28: {  	s2 =	sld [smem:$0x3FB0]  }
0x29: {  	s4 =	sld [smem:$0x3FB2]  }
0x2a: {  	p0 =	seq.s32 s5, $0x0;
	s5 =	sld [smem:$0x3FB3]  }
0x2b: {  	s6 =	sld [smem:$0x3FB4]  }
0x2c: {  	s7 =	sld [smem:$0x3FB5]  }
0x2d: {  	s3 =	simm.s32 $0x108;
	s8 =	sld [smem:$0x3FB6]  }
0x2e: {  	s3 =	simm.s32 @!p0 $0x1082;
	s9 =	sld [smem:$0x3FB7]  }
0x2f: {  	lr =	sadd.s32 s0, s3;
	s0 =	sld [smem:$0x3FAE]  }
0x30: {  	s3 =	sld [smem:$0x3FB1]  }
0x31: {  	[smem:$0x3FBA] =	sst s10  }
0x32: {  	s10 =	sld [smem:$0x3FB8];
	_ =	sdelay $0x3  }
0x33: {  	p0 =	seq.s32 s10, $0x1;
	s10 =	sld [smem:$0x3FBA];
	_ =	sdelay $0x3  }
0x34: {  	[smem:$0x3FBA] =	sst s10  }
0x35: {  	s10 =	sld [smem:$0x3FB9];
	_ =	sdelay $0x3  }
0x36: {  	p1 =	seq.s32 s10, $0x1;
	s10 =	sld [smem:$0x3FBA];
	_ =	sdelay $0x3  }
0x37: {  	[smem:$0x3FBA] =	sst s10  }
0x38: {  	s10 =	sld [smem:$0x3FBB]  }
0x39: {  	_ = 	snop;
	(pc) =	sbr.ind lr, $3  }
0x3a: {  	_ = 	snop  }
0x3b: {  	_ = 	snop  }
0x3c: {  	p2 =	seq.s32 s10, $0x1;
	s10 =	sld [smem:$0x3FBA]  }
0x3d: {  	_ =	shalt  }
0x3e: {  	_ =	shalt  }
0x3f: {  	_ =	shalt  }
0x40: {  	_ =	shalt  }
0x41: {  	_ =	shalt  }
0x42: {  	_ =	shalt  }
0x43: {  	_ =	shalt  }
0x44: {  	_ =	shalt  }
0x45: {  	_ =	shalt  }
0x46: {  	_ =	shalt  }
0x47: {  	_ =	shalt  }
0x48: {  	_ =	shalt  }
0x49: {  	_ =	shalt  }
0x4a: {  	_ =	shalt  }
0x4b: {  	_ =	shalt  }
0x4c: {  	_ =	shalt  }
0x4d: {  	_ =	shalt  }
0x4e: {  	_ =	shalt  }
0x4f: {  	_ =	shalt  }
0x50: {  	_ =	shalt  }
0x51: {  	_ =	shalt  }
0x52: {  	_ =	shalt  }
0x53: {  	_ =	shalt  }
0x54: {  	_ =	shalt  }
0x55: {  	_ =	shalt  }
0x56: {  	_ =	shalt  }
0x57: {  	_ =	shalt  }
0x58: {  	_ =	shalt  }
0x59: {  	_ =	shalt  }
0x5a: {  	_ =	shalt  }
0x5b: {  	_ =	shalt  }
0x5c: {  	_ =	shalt  }
0x5d: {  	_ =	shalt  }
0x5e: {  	_ =	shalt  }
0x5f: {  	_ =	shalt  }
0x60: {  	_ =	shalt  }
0x61: {  	_ =	shalt  }
0x62: {  	_ =	shalt  }
0x63: {  	_ =	shalt  }
0x64: {  	_ =	shalt  }
0x65: {  	_ =	shalt  }
0x66: {  	_ =	shalt  }
0x67: {  	_ =	shalt  }
0x68: {  	_ =	shalt  }
0x69: {  	_ =	shalt  }
0x6a: {  	_ =	shalt  }
0x6b: {  	_ =	shalt  }
0x6c: {  	_ =	shalt  }
0x6d: {  	_ =	shalt  }
0x6e: {  	_ =	shalt  }
0x6f: {  	_ =	shalt  }
0x70: {  	_ =	shalt  }
0x71: {  	_ =	shalt  }
0x72: {  	_ =	shalt  }
0x73: {  	_ =	shalt  }
0x74: {  	_ =	shalt  }
0x75: {  	_ =	shalt  }
0x76: {  	_ =	shalt  }
0x77: {  	_ =	shalt  }
0x78: {  	_ =	shalt  }
0x79: {  	_ =	shalt  }
0x7a: {  	_ =	shalt  }
0x7b: {  	_ =	shalt  }
0x7c: {  	_ =	shalt  }
0x7d: {  	_ =	shalt  }
0x7e: {  	_ =	shalt  }
0x7f: {  	_ =	shalt  }
0x80: {  	_ =	shalt  }
0x81: {  	_ =	shalt  }
0x82: {  	_ =	shalt  }
0x83: {  	_ =	shalt  }
0x84: {  	_ =	shalt  }
0x85: {  	_ =	shalt  }
0x86: {  	_ =	shalt  }
0x87: {  	_ =	shalt  }
.Lfunc_end0:
.L_simem_size_0:
called_computation.1_lowered:
.L_overlay_start_0:
0x88: {  	s2 =	sld [smem:$0x3FD9]  }
0x89: {  	s3 =	sld [smem:$0x3FFE];
	_ =	sdelay $0x1  }
0x8a: {  	s1 =	srdreg.scid  }
0x8b: {  	s0 =	sand.u32 $0x1, s1  }
0x8c: {  	s17 =	sshll.u32 s0, $0xA;
	s2 =	sadd.s32 s3, s2  }
0x8d: {  	s2 =	sadd.s32 s2, s17  }
0x8e: {  	[smem:$0x3FC6] =	sst s2  }
0x8f: {  	_ = 	snop  }
0x90: {  	s2 =	sld [smem:$0x3FD0];
	(tm) =	ssettm $0x1  }
0x91: {  	s18 =	sld [smem:$0x3FFB];
	_ =	sdelay $0x3  }
0x92: {  	_ =	strace s18  }
0x93: {  	s3 =	sld [smem:$0x3FFC];
	_ =	sdelay $0x3  }
0x94: {  	_ =	strace s3  }
0x95: {  	s3 =	sld [smem:$0x3FFD];
	_ =	sdelay $0x3  }
0x96: {  	_ =	strace s3  }
0x97: {  	_ =	strace $0x8FFFFFFF  }
0x98: {  	s19 =	sld [smem:$0x3FDB];
	_ =	sdelay $0x1  }
0x99: {  	s4 =	simm.s32 $_scs_section_size  }
0x9a: {  	s5 =	simm.s32 $_size__tile_overlayer_lowered;
	s6 =	simm.s32 $_tile_overlayer_lowered  }
0x9b: {  	s22 =	simm.s32 $0x1BFF;
	s21 =	sshll.u32 s6, $0x1;
	s3 =	sadd.s32 s4, s19  }
0x9c: {  	s7 =	simm.s32 $0x0;
	s20 =	sshll.u32 s5, $0x1;
	s5 =	sadd.s32 s21, s3  }
0x9d: {  	[timem:s7], [sflag:s22] =	dma.local [hbm:s5], s20  }
0x9e: {  	_ =	swait.ge [sflag:s22], s20  }
0x9f: {  	s4 =	ssub.s32 $0x0, s20;
	[sflag:s22] =	ssyncset.done $0x0  }
0xa0: {  	[sflag:s22] =	ssyncadd.s32 s4;
	_ =	sdelay $0x1  }
0xa1: {  	s23 =	simm.s32 $0x1B8B  }
0xa2: {  	_ =	swait.ge [sflag:s23], $0x1  }
0xa3: {  	[sflag:s23] =	ssyncset.done $0x0  }
0xa4: {  	s25 =	simm.s32 $0x1B8E;
	s24 =	sld [smem:$0x3FFE];
	[sflag:s23] =	ssyncadd.s32 $0xFFFFFFFF  }
0xa5: {  	s26 =	simm.s32 $execute0_lowered;
	[smem:$0x3FD2] =	sst s25  }
0xa6: {  	s5 =	sshll.u32 s26, $0x1;
	_ =	strace $0x80000046;
	[dreg:$0x1] =	wrdreg $0xFFFFFFFF  }
0xa7: {  	s28 =	simm.s32 $_size_execute0_lowered;
	s3 =	sadd.s32 s3, s5;
	[dreg:$0x0] =	wrdreg $0x0  }
0xa8: {  	s5 =	sshll.u32 s28, $0x1;
	[dreg:$0x2] =	wrdreg s3  }
0xa9: {  	[dreg:$0x3] =	wrdreg s5  }
0xaa: {  	[dreg:$0x4] =	wrdreg $0xC0  }
0xab: {  	_ =	task [dreg:s7], $0x5FFFF  }
0xac: {  	[dreg:$0x1] =	wrdreg $0xFFFFFFFF  }
0xad: {  	[dreg:$0x0] =	wrdreg $0x60  }
0xae: {  	[dreg:$0x2] =	wrdreg s24  }
0xaf: {  	[dreg:$0x3] =	wrdreg s2  }
0xb0: {  	[dreg:$0x4] =	wrdreg $0x9  }
0xb1: {  	_ =	task.clear_ibuf [dreg:s7], $0x5FFFF;
	_ =	strace $0x90000046  }
0xb2: {  	s29 =	simm.s32 $0x9;
	_ =	strace $0x80000048  }
0xb3: {  	_ =	swait.ge [sflag:s29], $0x1  }
0xb4: {  	[sflag:s29] =	ssyncadd.s32 $0xFFFFFFFF  }
0xb5: {  	_ =	strace $0x90000048  }
0xb6: {  	_ =	sfence  }
0xb7: {  	s30 =	sld [smem:$0x0];
	_ =	sdelay $0x2  }
0xb8: {  	s31 =	sshll.u32 s1, $0xD;
	s1 =	sshrl.u32 s1, $0x2  }
0xb9: {  	s3 =	sand.u32 $0x4000, s31;
	s1 =	sadd.s32 s1, s30  }
0xba: {  	s0 =	sor.u32 s3, s0;
	s1 =	sshll.u32 s1, $0x11  }
0xbb: {  	s0 =	sor.u32 s1, s0  }
0xbc: {  	s0 =	sadd.s32 $0x8F2B, s0  }
0xbd: {  	[sflag:s0] =	ssyncadd.remote.s32 $0x1  }
0xbe: {  	_ =	sfence.sel $0xFFFF  }
0xbf: {  	[dreg:$0x0] =	wrdreg $0xFFFFFFFF;
	(pc) =	sbr.abs _section_cstart, $3  }
0xc0: {  	[dreg:$0x1] =	wrdreg $0xFFFFFFFF  }
0xc1: {  	_ =	task.clear_ibuf [dreg:s7], $0x2FFFF;
	_ =	strace $0x9FFFFFFF  }
0xc2: {  	(tm) =	ssettm $0x7FFFFFFF  }
0xc3: {  	_ =	shalt  }
tec
execute0_lowered:
.L_overlay_start_1:
0x0: {  	(tag) =	ssettag $0x1  }
0x1: {  	s0 =	rddreg [dreg:$0x0]  }
0x2: {  	s12 =	rddreg [dreg:$0x1];
	s2 =	srdreg.scid  }
0x3: {  	s1 =	stileid.u32;
	s15 =	simm.s32 $0x2000;
	s16 =	simm.s32 $0x68  }
0x4: {  	s17 =	simm.s32 $0x3A00;
	s18 =	simm.s32 $0x100;
	s19 =	simm.s32 $0x5400  }
0x5: {  	s20 =	simm.s32 $0x160;
	s21 =	simm.s32 $0x6E00;
	s22 =	simm.s32 $0x1  }
0x6: {  	s23 =	simm.s32 $0x2;
	s24 =	simm.s32 $0x3;
	s25 =	simm.s32 $0x4  }
0x7: {  	s26 =	simm.s32 $0x0;
	s9 =	sand.u32 $0x1, s2;
	s11 =	smul.u32 $0xC8000, s1  }
0x8: {  	s2 =	simm.s32 $0x0;
	s3 =	sshll.u32 s1, $0x6;
	s13 =	smul.u32 $0x19000, s1  }
0x9: {  	s4 =	sshll.u32 s9, $0x5;
	[smem:$0x7FF] =	sst s2;
	s30 =	smul.u32 $0x64000, s9  }
0xa: {  	s6 =	ssub.s32 $0x2, s9;
	s14 =	smul.u32 $0xC800, s9;
	s4 =	sor.u32 s4, s3  }
0xb: {  	_ =	strace $0x80000047;
	s3 =	sadd.s32 $0xF42E00, s0;
	s29 =	sshrl.u32 s6, $0x1  }
0xc: {  	s31 =	sadd.s32 s13, s12;
	s5 =	smul.u32 $0x3200, s4;
	s4 =	sshll.u32 s4, $0x5  }
0xd: {  	s13 =	simm.s32 $0x5;
	s10 =	ssub.s32 s6, s29;
	s0 =	sadd.s32 s4, s0  }
0xe: {  	s9 =	smax.u32 s10, $0x1;
	s10 =	sadd.s32 s14, s31;
	s14 =	simm.s32 $0x60  }
0xf: {  	s5 =	sshrl.u32 s5, $0x3;
	s4 =	sadd.s32 $0xA00, s0;
	s0 =	sadd.s32 s30, s11  }
0x10: {  	s10 =	sadd.s32 $0x640, s10;
	s8 =	sadd.s32 s12, s5;
	s11 =	sadd.s32 $0x4A00, s0  }
0x11: {  	s0 =	sor.u32 $0x1800, s0;
	s5 =	sadd.s32 $0xBB80, s8;
	s6 =	sadd.s32 $0xBE80, s8  }
0x12: {  	s7 =	sadd.s32 $0xC1C0, s8;
	s11 =	sshrl.u32 s11, $0x3;
	s0 =	sshrl.u32 s0, $0x3  }
0x13: {  	s8 =	sadd.s32 $0xC4C0, s8;
	s11 =	sadd.s32 s11, s12;
	s12 =	sadd.s32 s0, s12  }
.LBB2_1:
0x14: {  	[tilespmem:s2], [sflag:$0x5] =	stream.linear.gather [hbm4b:s4+s2], $0x2000, $0x38;
	[tilespmem:$0x8800] =	vst v63  }
0x15: {  	_ =	swait.ge [sflag:s13], $0x2000  }
0x16: {  	[sflag:s13] =	ssyncset.done $0x0  }
0x17: {  	[sflag:s13] =	ssyncadd.s32 $0xFFFFE000  }
0x18: {  	[tilespmem:s15], [sflag:$0x1] =	stream.indirect.gather [hbm4b:s3+s14], $0x40, s2, s14, $0xb8;
	[tilespmem:$0x8800] =	vst v63  }
0x19: {  	_ = 	snop  }
0x1a: {  	[tilespmem:s17], [sflag:$0x2] =	stream.indirect.gather [hbm4b:s3+s16], $0x40, s14, s16, $0xb8;
	[tilespmem:$0x8800] =	vst v63  }
0x1b: {  	_ = 	snop  }
0x1c: {  	[tilespmem:s19], [sflag:$0x3] =	stream.indirect.gather [hbm4b:s3+s14], $0x40, s18, s14, $0xb8;
	[tilespmem:$0x8800] =	vst v63  }
0x1d: {  	_ = 	snop  }
0x1e: {  	[tilespmem:s21], [sflag:$0x4] =	stream.indirect.gather [hbm4b:s3+s16], $0x40, s20, s16, $0xb8;
	[tilespmem:$0x8800] =	vst v63  }
0x1f: {  	_ =	swait.ge [sflag:s22], $0x1800  }
0x20: {  	[sflag:s22] =	ssyncset.done $0x0  }
0x21: {  	s0 =	sadd.s32 $0xFFFFF9C0, s10;
	[sflag:s22] =	ssyncadd.s32 $0xFFFFE800  }
0x22: {  	[hbm4b:s0+s2] =	stream.linear.scatter [tilespmem:s15], [sflag:$0x5], $0x1800, $0x38;
	[tilespmem:$0x8800] =	vst v63  }
0x23: {  	_ =	swait.ge [sflag:s13], $0x1800  }
0x24: {  	[sflag:s13] =	ssyncset.done $0x0  }
0x25: {  	s1 =	simm.s32 $0x200;
	[sflag:s13] =	ssyncadd.s32 $0xFFFFE800  }
0x26: {  	[tilespmem:s15], [sflag:$0x1] =	stream.indirect.gather [hbm4b:s3+s14], $0x40, s1, s14, $0xb8;
	[tilespmem:$0x8800] =	vst v63  }
0x27: {  	_ =	swait.ge [sflag:s23], $0x1A00  }
0x28: {  	[sflag:s23] =	ssyncset.done $0x0  }
0x29: {  	[sflag:s23] =	ssyncadd.s32 $0xFFFFE600  }
0x2a: {  	[hbm4b:s12+s2] =	stream.linear.scatter [tilespmem:s17], [sflag:$0x5], $0x1A00, $0x38;
	[tilespmem:$0x8800] =	vst v63  }
0x2b: {  	_ =	swait.ge [sflag:s13], $0x1A00  }
0x2c: {  	[sflag:s13] =	ssyncset.done $0x0  }
0x2d: {  	s1 =	simm.s32 $0x260;
	[sflag:s13] =	ssyncadd.s32 $0xFFFFE600  }
0x2e: {  	[tilespmem:s17], [sflag:$0x2] =	stream.indirect.gather [hbm4b:s3+s16], $0x40, s1, s16, $0xb8;
	[tilespmem:$0x8800] =	vst v63  }
0x2f: {  	_ =	swait.ge [sflag:s24], $0x1800  }
0x30: {  	[sflag:s24] =	ssyncset.done $0x0  }
0x31: {  	[sflag:s24] =	ssyncadd.s32 $0xFFFFE800  }
0x32: {  	[hbm4b:s10+s2] =	stream.linear.scatter [tilespmem:s19], [sflag:$0x5], $0x1800, $0x38;
	[tilespmem:$0x8800] =	vst v63  }
0x33: {  	_ =	swait.ge [sflag:s13], $0x1800  }
0x34: {  	[sflag:s13] =	ssyncset.done $0x0  }
0x35: {  	s1 =	simm.s32 $0x300;
	[sflag:s13] =	ssyncadd.s32 $0xFFFFE800  }
0x36: {  	[tilespmem:s19], [sflag:$0x3] =	stream.indirect.gather [hbm4b:s3+s14], $0x40, s1, s14, $0xb8;
	[tilespmem:$0x8800] =	vst v63  }
0x37: {  	_ =	swait.ge [sflag:s25], $0x1A00  }
0x38: {  	[sflag:s25] =	ssyncset.done $0x0  }
0x39: {  	[sflag:s25] =	ssyncadd.s32 $0xFFFFE600  }
0x3a: {  	[hbm4b:s11+s2] =	stream.linear.scatter [tilespmem:s21], [sflag:$0x5], $0x1A00, $0x38;
	[tilespmem:$0x8800] =	vst v63  }
0x3b: {  	s28 =	simm.s32 $0x800;
	_ =	swait.ge [sflag:s13], $0x1A00  }
0x3c: {  	s29 =	sadd.s32 $0xC80, s11;
	s30 =	sadd.s32 $0xC80, s12;
	[sflag:s13] =	ssyncset.done $0x0  }
0x3d: {  	s31 =	sadd.s32 $0xC80, s10;
	s0 =	simm.s32 $0x360;
	[sflag:s13] =	ssyncadd.s32 $0xFFFFE600  }
.LBB2_2:
0x3e: {  	[tilespmem:s21], [sflag:$0x4] =	stream.indirect.gather [hbm4b:s3+s16], $0x40, s0, s16, $0xb8;
	[tilespmem:$0x8800] =	vst v63  }
0x3f: {  	s0 =	smov.u32 s28  }
0x40: {  	p0 =	sne.s32 s28, $0x7000;
	s28 =	sadd.s32 $0x800, s28;
	_ =	swait.ge [sflag:s22], $0x1800  }
0x41: {  	[sflag:s22] =	ssyncset.done $0x0  }
0x42: {  	s1 =	sadd.s32 $0xFFFFF9C0, s31;
	[sflag:s22] =	ssyncadd.s32 $0xFFFFE800  }
0x43: {  	[hbm4b:s1+s2] =	stream.linear.scatter [tilespmem:s15], [sflag:$0x5], $0x1800, $0x38;
	[tilespmem:$0x8800] =	vst v63  }
0x44: {  	_ =	swait.ge [sflag:s13], $0x1800  }
0x45: {  	s0 =	sshra.s32 s0, $0x2;
	[sflag:s13] =	ssyncset.done $0x0  }
0x46: {  	s1 =	sadd.s32 $0x200, s0;
	[sflag:s13] =	ssyncadd.s32 $0xFFFFE800  }
0x47: {  	[tilespmem:s15], [sflag:$0x1] =	stream.indirect.gather [hbm4b:s3+s14], $0x40, s1, s14, $0xb8;
	[tilespmem:$0x8800] =	vst v63  }
0x48: {  	_ =	swait.ge [sflag:s23], $0x1A00  }
0x49: {  	[sflag:s23] =	ssyncset.done $0x0  }
0x4a: {  	[sflag:s23] =	ssyncadd.s32 $0xFFFFE600  }
0x4b: {  	[hbm4b:s30+s2] =	stream.linear.scatter [tilespmem:s17], [sflag:$0x5], $0x1A00, $0x38;
	[tilespmem:$0x8800] =	vst v63  }
0x4c: {  	_ =	swait.ge [sflag:s13], $0x1A00  }
0x4d: {  	[sflag:s13] =	ssyncset.done $0x0  }
0x4e: {  	s1 =	sadd.s32 $0x260, s0;
	[sflag:s13] =	ssyncadd.s32 $0xFFFFE600  }
0x4f: {  	[tilespmem:s17], [sflag:$0x2] =	stream.indirect.gather [hbm4b:s3+s16], $0x40, s1, s16, $0xb8;
	[tilespmem:$0x8800] =	vst v63  }
0x50: {  	_ =	swait.ge [sflag:s24], $0x1800  }
0x51: {  	[sflag:s24] =	ssyncset.done $0x0  }
0x52: {  	[sflag:s24] =	ssyncadd.s32 $0xFFFFE800  }
0x53: {  	[hbm4b:s31+s2] =	stream.linear.scatter [tilespmem:s19], [sflag:$0x5], $0x1800, $0x38;
	[tilespmem:$0x8800] =	vst v63  }
0x54: {  	_ =	swait.ge [sflag:s13], $0x1800  }
0x55: {  	[sflag:s13] =	ssyncset.done $0x0  }
0x56: {  	s1 =	sadd.s32 $0x300, s0;
	[sflag:s13] =	ssyncadd.s32 $0xFFFFE800  }
0x57: {  	[tilespmem:s19], [sflag:$0x3] =	stream.indirect.gather [hbm4b:s3+s14], $0x40, s1, s14, $0xb8;
	[tilespmem:$0x8800] =	vst v63  }
0x58: {  	_ =	swait.ge [sflag:s25], $0x1A00  }
0x59: {  	[sflag:s25] =	ssyncset.done $0x0  }
.Ltmp0:
0x5a: {  	[sflag:s25] =	ssyncadd.s32 $0xFFFFE600;
	(pc) =	sbr.rel @p0 .LBB2_2-.Ltmp0, $4  }
0x5b: {  	[hbm4b:s29+s2] =	stream.linear.scatter [tilespmem:s21], [sflag:$0x5], $0x1A00, $0x38;
	[tilespmem:$0x8800] =	vst v63  }
0x5c: {  	_ =	swait.ge [sflag:s13], $0x1A00  }
0x5d: {  	s30 =	sadd.s32 $0xC80, s30;
	s29 =	sadd.s32 $0xC80, s29;
	[sflag:s13] =	ssyncset.done $0x0  }
0x5e: {  	s0 =	sadd.s32 $0x360, s0;
	s31 =	sadd.s32 $0xC80, s31;
	[sflag:s13] =	ssyncadd.s32 $0xFFFFE600  }
0x5f: {  	[tilespmem:s21], [sflag:$0x4] =	stream.indirect.gather [hbm4b:s3+s16], $0x40, s0, s16, $0xb8;
	[tilespmem:$0x8800] =	vst v63  }
0x60: {  	_ =	swait.ge [sflag:s22], $0x1800  }
0x61: {  	[sflag:s22] =	ssyncset.done $0x0  }
0x62: {  	[sflag:s22] =	ssyncadd.s32 $0xFFFFE800  }
0x63: {  	[hbm4b:s5+s2] =	stream.linear.scatter [tilespmem:s15], [sflag:$0x5], $0x1800, $0x38;
	[tilespmem:$0x8800] =	vst v63  }
0x64: {  	_ =	swait.ge [sflag:s13], $0x1800  }
0x65: {  	[sflag:s13] =	ssyncset.done $0x0  }
0x66: {  	[sflag:s13] =	ssyncadd.s32 $0xFFFFE800  }
0x67: {  	_ =	swait.ge [sflag:s23], $0x1A00  }
0x68: {  	[sflag:s23] =	ssyncset.done $0x0  }
0x69: {  	[sflag:s23] =	ssyncadd.s32 $0xFFFFE600  }
0x6a: {  	[hbm4b:s6+s2] =	stream.linear.scatter [tilespmem:s17], [sflag:$0x5], $0x1A00, $0x38;
	[tilespmem:$0x8800] =	vst v63  }
0x6b: {  	_ =	swait.ge [sflag:s13], $0x1A00  }
0x6c: {  	[sflag:s13] =	ssyncset.done $0x0  }
0x6d: {  	[sflag:s13] =	ssyncadd.s32 $0xFFFFE600  }
0x6e: {  	_ =	swait.ge [sflag:s24], $0x1800  }
0x6f: {  	[sflag:s24] =	ssyncset.done $0x0  }
0x70: {  	[sflag:s24] =	ssyncadd.s32 $0xFFFFE800  }
0x71: {  	[hbm4b:s7+s2] =	stream.linear.scatter [tilespmem:s19], [sflag:$0x5], $0x1800, $0x38;
	[tilespmem:$0x8800] =	vst v63  }
0x72: {  	_ =	swait.ge [sflag:s13], $0x1800  }
0x73: {  	[sflag:s13] =	ssyncset.done $0x0  }
0x74: {  	[sflag:s13] =	ssyncadd.s32 $0xFFFFE800  }
0x75: {  	s26 =	sadd.s32 $0x1, s26;
	_ =	swait.ge [sflag:s25], $0x1A00  }
0x76: {  	p0 =	sne.s32 s26, s9;
	[sflag:s25] =	ssyncset.done $0x0  }
.Ltmp1:
0x77: {  	[sflag:s25] =	ssyncadd.s32 $0xFFFFE600;
	(pc) =	sbr.rel @p0 .LBB2_1-.Ltmp1, $4  }
0x78: {  	[hbm4b:s8+s2] =	stream.linear.scatter [tilespmem:s21], [sflag:$0x5], $0x1A00, $0x38;
	[tilespmem:$0x8800] =	vst v63  }
0x79: {  	_ =	swait.ge [sflag:s13], $0x1A00  }
0x7a: {  	[sflag:s13] =	ssyncset.done $0x0  }
0x7b: {  	[sflag:s13] =	ssyncadd.s32 $0xFFFFE600  }
0x7c: {  	_ =	sfence.sel $0x180000  }
0x7d: {  	[bflag:$0x0] =	sbarrier.arrive $0xFFFF  }
0x7e: {  	_ =	strace $0x90000047  }
0x7f: {  	s0 =	stileid.u32;
	[bflag:$0x2] =	sbarrier.arrive $0xFFFF  }
0x80: {  	p0 =	sne.s32 s0, $0x0;
	s0 =	rddreg [dreg:$0x2]  }
0x81: {  	s0 =	sadd.s32 @!p0 $0x100000, s0  }
0x82: {  	[sflag:s0] =	ssyncadd.tile.s32 @!p0 $0x1;
	_ =	shalt  }
.Lfunc_end2:
_tile_overlayer_lowered:
.L_overlay_start_2:
0x83: {  	(tag) =	ssettag $0x2  }
0x84: {  	s0 =	rddreg [dreg:$0x0];
	s2 =	stileid.u32  }
0x85: {  	s1 =	rddreg [dreg:$0x1];
	p0 =	sne.s32 s2, $0x0  }
0x86: {  	s3 =	rddreg [dreg:$0x2];
	[bflag:$0x3] =	sbarrier.arrive $0xFFFF;
	s2 =	simm.s32 @!p0 $0x1C05  }
0x87: {  	[timem:s3], [sflag:s2] =	dma.local @!p0 [hbm:s0], s1  }
0x88: {  	s0 =	simm.s32 @!p0 $0x5  }
0x89: {  	_ =	swait.ge @!p0 [sflag:s0], s1  }
0x8a: {  	s1 =	ssub.s32 @!p0 $0x0, s1;
	[sflag:s0] =	ssyncset.done @!p0 $0x0  }
0x8b: {  	[sflag:s0] =	ssyncadd.s32 @!p0 s1  }
0x8c: {  	[bflag:$0x3] =	sbarrier.arrive $0xFFFF  }
0x8d: {  	_ =	shalt  }

// kernel: sparse-core-data-format-call.cloned.1.call-start
scs
called_computation_lowered:
.L_overlay_start_0:
0x0: {  	s2 =	sld [smem:$0x3FD9]  }
0x1: {  	s3 =	sld [smem:$0x3FFE];
	_ =	sdelay $0x1  }
0x2: {  	s1 =	srdreg.scid  }
0x3: {  	s0 =	sand.u32 $0x1, s1  }
0x4: {  	s18 =	sshll.u32 s0, $0xA;
	s2 =	sadd.s32 s3, s2  }
0x5: {  	s2 =	sadd.s32 s2, s18  }
0x6: {  	[smem:$0x3FC6] =	sst s2  }
0x7: {  	_ = 	snop  }
0x8: {  	s2 =	sld [smem:$0x3FD0];
	(tm) =	ssettm $0x1  }
0x9: {  	s19 =	sld [smem:$0x3FFB];
	_ =	sdelay $0x3  }
0xa: {  	_ =	strace s19  }
0xb: {  	s3 =	sld [smem:$0x3FFC];
	_ =	sdelay $0x3  }
0xc: {  	_ =	strace s3  }
0xd: {  	s3 =	sld [smem:$0x3FFD];
	_ =	sdelay $0x3  }
0xe: {  	_ =	strace s3  }
0xf: {  	_ =	strace $0x8FFFFFFF  }
0x10: {  	s20 =	sld [smem:$0x3FDB];
	_ =	sdelay $0x1  }
0x11: {  	s4 =	simm.s32 $_scs_section_size  }
0x12: {  	s5 =	simm.s32 $_size__tile_overlayer_lowered;
	s6 =	simm.s32 $_tile_overlayer_lowered  }
0x13: {  	s23 =	simm.s32 $0x1BFF;
	s22 =	sshll.u32 s6, $0x1;
	s3 =	sadd.s32 s4, s20  }
0x14: {  	s7 =	simm.s32 $0x0;
	s21 =	sshll.u32 s5, $0x1;
	s5 =	sadd.s32 s22, s3  }
0x15: {  	[timem:s7], [sflag:s23] =	dma.local [hbm:s5], s21  }
0x16: {  	_ =	swait.ge [sflag:s23], s21  }
0x17: {  	s4 =	ssub.s32 $0x0, s21;
	[sflag:s23] =	ssyncset.done $0x0  }
0x18: {  	[sflag:s23] =	ssyncadd.s32 s4;
	_ =	sdelay $0x1  }
0x19: {  	s24 =	simm.s32 $0x1B8B  }
0x1a: {  	_ =	swait.ge [sflag:s24], $0x1  }
0x1b: {  	[sflag:s24] =	ssyncset.done $0x0  }
0x1c: {  	s26 =	simm.s32 $0x1B8E;
	s25 =	sld [smem:$0x3FFE];
	[sflag:s24] =	ssyncadd.s32 $0xFFFFFFFF  }
0x1d: {  	s27 =	simm.s32 $execute0_lowered;
	[smem:$0x3FD2] =	sst s26  }
0x1e: {  	s5 =	sshll.u32 s27, $0x1;
	_ =	strace $0x80000049;
	[dreg:$0x1] =	wrdreg $0xFFFFFFFF  }
0x1f: {  	s28 =	simm.s32 $_size_execute0_lowered;
	s3 =	sadd.s32 s3, s5;
	[dreg:$0x0] =	wrdreg $0x0  }
0x20: {  	s5 =	sshll.u32 s28, $0x1;
	[dreg:$0x2] =	wrdreg s3  }
0x21: {  	[dreg:$0x3] =	wrdreg s5  }
0x22: {  	[dreg:$0x4] =	wrdreg $0xC0  }
0x23: {  	_ =	task [dreg:s7], $0x5FFFF  }
0x24: {  	[dreg:$0x1] =	wrdreg $0xFFFFFFFF  }
0x25: {  	[dreg:$0x0] =	wrdreg $0x60  }
0x26: {  	[dreg:$0x2] =	wrdreg s25  }
0x27: {  	[dreg:$0x3] =	wrdreg s2  }
0x28: {  	[dreg:$0x4] =	wrdreg $0x9  }
0x29: {  	_ =	task.clear_ibuf [dreg:s7], $0x5FFFF;
	_ =	strace $0x90000049  }
0x2a: {  	s29 =	simm.s32 $0x9;
	_ =	strace $0x8000004B  }
0x2b: {  	_ =	swait.ge [sflag:s29], $0x1  }
0x2c: {  	[sflag:s29] =	ssyncadd.s32 $0xFFFFFFFF  }
0x2d: {  	_ =	strace $0x9000004B  }
0x2e: {  	_ =	sfence  }
0x2f: {  	s30 =	sld [smem:$0x0];
	_ =	sdelay $0x2  }
0x30: {  	s31 =	sshll.u32 s1, $0xD;
	s1 =	sshrl.u32 s1, $0x2  }
0x31: {  	s3 =	sand.u32 $0x4000, s31;
	s1 =	sadd.s32 s1, s30  }
0x32: {  	s0 =	sor.u32 s3, s0;
	s1 =	sshll.u32 s1, $0x11  }
0x33: {  	s0 =	sor.u32 s1, s0  }
0x34: {  	s0 =	sadd.s32 $0x8F2B, s0  }
0x35: {  	[sflag:s0] =	ssyncadd.remote.s32 $0x1  }
0x36: {  	_ =	sfence.sel $0xFFFF  }
0x37: {  	[dreg:$0x0] =	wrdreg $0xFFFFFFFF;
	(pc) =	sbr.abs _section_cstart, $3  }
0x38: {  	[dreg:$0x1] =	wrdreg $0xFFFFFFFF  }
0x39: {  	_ =	task.clear_ibuf [dreg:s7], $0x2FFFF;
	_ =	strace $0x9FFFFFFF  }
0x3a: {  	(tm) =	ssettm $0x7FFFFFFF  }
0x3b: {  	_ =	shalt  }
tec
execute0_lowered:
.L_overlay_start_1:
0x0: {  	(tag) =	ssettag $0x1  }
0x1: {  	s0 =	stileid.u32;
	s6 =	rddreg [dreg:$0x0]  }
0x2: {  	s2 =	rddreg [dreg:$0x1];
	s5 =	srdreg.scid  }
0x3: {  	s31 =	simm.s32 $0x2;
	s13 =	simm.s32 $0x0;
	s1 =	sshll.u32 s0, $0x7  }
0x4: {  	s14 =	simm.s32 $0x0;
	s12 =	simm.s32 $0x0;
	s3 =	sand.u32 $0x380, s1  }
0x5: {  	s5 =	sshll.u32 s5, $0x4;
	s6 =	sadd.s32 $0xA00, s6;
	s4 =	ssub.s32 $0x400, s3  }
0x6: {  	s1 =	rddreg [dreg:$0x2];
	_ =	strace $0x8000004A;
	s7 =	sand.u32 $0x380, s4  }
0x7: {  	s5 =	sand.u32 $0x10, s5;
	p0 =	sne.s32 s7, $0x0;
	s7 =	simm.s32 $0x1  }
.Ltmp0:
0x8: {  	s8 =	sshrl.u32 s4, $0xA;
	s7 =	simm.s32 @!p0 $0x0;
	(pc) =	sbr.rel .LBB1_1-.Ltmp0, $4  }
0x9: {  	s9 =	sor.u32 s0, s5;
	s4 =	simm.s32 $0x1;
	s30 =	sadd.s32 s7, s8  }
0xa: {  	s11 =	smov.u32 s3;
	[sflag:s4] =	ssyncpa.u1 $0x0;
	s5 =	smul.u32 $0x32, s30  }
0xb: {  	[sflag:s31] =	ssyncpa.u1 $0x0;
	p0 =	por $0x0, $0x0;
	s7 =	sshrl.u32 s9, $0x3  }
0xc: {  	s9 =	simm.s32 $0x2000;
	s10 =	smov.u32 s7;
	s8 =	sor.u32 $0x1, s5  }
.LBB1_4:
0xd: {  	s17 =	sand.u32 $0x1F80, s14;
	s13 =	sshll.u32 s13, $0xD  }
0xe: {  	[tilespmem:s16+$0x810 ss:$0x81] =	vst.msk $0xffff, v2;
	s18 =	sshrl.u32 s14, $0x3;
	s31 =	sand.u32 $0x7, s14;
	s17 =	sadd.s32 s2, s17  }
0xf: {  	[tilespmem:s16+$0x1020 ss:$0x81] =	vst.msk $0xffff, v0;
	s18 =	sand.u32 $0xF, s18;
	s14 =	sshll.u32 s31, $0x12;
	s13 =	sadd.s32 s13, s17  }
0x10: {  	[tilespmem:s16+$0x0 ss:$0x81] =	vst.msk $0xffff, v1;
	s14 =	sor.u32 $0x400, s14;
	s13 =	sadd.s32 s18, s13  }
0x11: {  	[hbm4b:s13+s14] =	stream.strided.scatter [tilespmem:s15], [sflag:$0x2], $0x2000, s9, s14, $0x20;
	[tilespmem:$0x8080] =	vst v63  }
.LBB1_5:
0x12: {  	s15 =	sadd.s32 $0x4, s10  }
0x13: {  	s13 =	sadd.s32 $0x400, s11;
	s17 =	smov.u32 s11;
	p2 =	sgt.s32 s15, $0xC7  }
0x14: {  	s17 =	smov.u32 @p2 s13  }
0x15: {  	s15 =	smov.u32 @p2 s7;
	p2 =	sgt.s32 s17, $0x3FF  }
0x16: {  	s17 =	smov.u32 @p2 s3;
	p2 =	sne.s32 s12, s8  }
.Ltmp1:
0x17: {  	p1 =	slt.u32 s12, $0x2;
	(pc) =	sbr.rel @!p2 .LBB1_6-.Ltmp1, $4  }
0x18: {  	s16 =	simm.s32 @!p1 $0x2  }
0x19: {  	s14 =	smov.u32 s11;
	p0 =	por !p0, !p0;
	_ =	swait.ge @!p1 [sflag:s16], $0x2000  }
0x1a: {  	s13 =	smov.u32 s10;
	[sflag:s16] =	ssyncset.done @!p1 $0x0;
	s10 =	smov.u32 s15  }
0x1b: {  	s12 =	sadd.s32 $0x1, s12;
	[sflag:s16] =	ssyncadd.s32 @!p1 $0xFFFFE000;
	s11 =	smov.u32 s17  }
.LBB1_1:
0x1c: {  	p1 =	sge.u32 s12, s5  }
0x1d: {  	s15 =	sand.u32 @!p1 $0x1FFFFFF, s10  }
0x1e: {  	s16 =	smulhi.u32 @!p1 $0x147AE15, s15;
	_ =	sdelay $0x1  }
0x1f: {  	s16 =	smul.u32 @!p1 $0xC8, s16  }
0x20: {  	s17 =	sxor.u32 @!p1 $0xFFFFFFFF, s12;
	s18 =	smul.u32 @!p1 $0xC80, s11  }
0x21: {  	s31 =	sadd.s32 $0xFFFFFFFF, s12;
	s17 =	sshll.u32 @!p1 s17, $0xD;
	s15 =	ssub.s32 @!p1 s15, s16  }
0x22: {  	s16 =	sand.u32 @!p1 $0x2000, s17;
	s17 =	sadd.s32 @!p1 s6, s18;
	s15 =	sshll.u32 @!p1 s15, $0x4  }
0x23: {  	s18 =	simm.s32 @!p1 $0x6400;
	s15 =	sadd.s32 @!p1 s15, s17;
	s17 =	simm.s32 @!p1 $0x40  }
0x24: {  	[tilespmem:s16], [sflag:$0x1] =	stream.strided.gather @!p1 [hbm4b:s15+s17], $0x2000, s18, s17, $0x38;
	[tilespmem:$0x8080] =	vst v63  }
0x25: {  	p1 =	sge.u32 s31, s5  }
.Ltmp2:
0x26: {  	_ = 	snop;
	(pc) =	sbr.rel @p1 .LBB1_5-.Ltmp2, $1  }
0x27: {  	_ =	sdelay $0x3  }
0x28: {  	s15 =	simm.s32 $0x1  }
0x29: {  	_ =	swait.ge [sflag:s4], $0x2000;
	s15 =	simm.s32 @!p0 $0x0  }
0x2a: {  	[sflag:s4] =	ssyncset.done $0x0;
	s16 =	sshll.u32 s15, $0xD  }
0x2b: {  	[sflag:s4] =	ssyncadd.s32 $0xFFFFE000;
	s19 =	sor.u32 $0x20, s16  }
0x2c: {  	s15 =	smul.u32 $0x8100, s15;
	v3 =	vld [tilespmem:s19+$0x10]  }
0x2d: {  	s30 =	sand.u32 $0x1, s12;
	v2 =	vld [tilespmem:s19+$0xFFFFFFF0]  }
0x2e: {  	s16 =	smul.u32 $0x8100, s30;
	s15 =	sshrl.u32 s15, $0x2;
	v0 =	vld [tilespmem:s19+$0x0]  }
0x2f: {  	v1 =	vld [tilespmem:s19+$0xFFFFFFE0];
	s17 =	sor.u32 $0x4000, s15  }
0x30: {  	s31 =	sshrl.u32 s16, $0x2;
	s16 =	sadd.s32 $0x0, s17  }
0x31: {  	s18 =	simm.s32 $0x4;
	s19 =	sadd.s32 $0x40, s19;
	s15 =	sor.u32 $0x4000, s31;
	[tilespmem:s16+$0x1830 ss:$0x81] =	vst.msk $0xffff, v3  }
.LBB1_3:
0x32: {  	v3 =	vld [tilespmem:s19+$0x10];
	p1 =	sne.s32 s18, $0x1FC;
	[tilespmem:s16+$0x810 ss:$0x81] =	vst.msk $0xffff, v2;
	s20 =	smov.u32 s18;
	s18 =	sadd.s32 $0x4, s18  }
.Ltmp3:
0x33: {  	v2 =	vld [tilespmem:s19+$0xFFFFFFF0];
	[tilespmem:s16+$0x1020 ss:$0x81] =	vst.msk $0xffff, v0;
	(pc) =	sbr.rel @p1 .LBB1_3-.Ltmp3, $4  }
0x34: {  	v0 =	vld [tilespmem:s19+$0x0];
	[tilespmem:s16+$0x0 ss:$0x81] =	vst.msk $0xffff, v1  }
0x35: {  	s16 =	sshra.s32 s20, $0x2;
	v1 =	vld [tilespmem:s19+$0xFFFFFFE0]  }
0x36: {  	s16 =	sadd.s32 s16, s17  }
0x37: {  	s19 =	sadd.s32 $0x40, s19;
	[tilespmem:s16+$0x1830 ss:$0x81] =	vst.msk $0xffff, v3  }
.Ltmp4:
0x38: {  	_ = 	snop;
	(pc) =	sbr.rel .LBB1_4-.Ltmp4, $1  }
0x39: {  	_ =	sdelay $0x3  }
.LBB1_6:
0x3a: {  	_ =	sfence.sel $0x180000  }
0x3b: {  	s2 =	simm.s32 $0x1;
	[bflag:$0x0] =	sbarrier.arrive $0xFFFF  }
0x3c: {  	s31 =	simm.s32 $0x2;
	[sflag:s2] =	ssyncpa.u1 $0x1  }
0x3d: {  	[sflag:s31] =	ssyncpa.u1 $0x1  }
0x3e: {  	p0 =	sne.s32 s0, $0x0;
	_ =	strace $0x9000004A  }
0x3f: {  	s0 =	sadd.s32 @!p0 $0x100000, s1;
	[bflag:$0x2] =	sbarrier.arrive $0xFFFF  }
0x40: {  	[sflag:s0] =	ssyncadd.tile.s32 @!p0 $0x1;
	_ =	shalt  }
.Lfunc_end1:
_tile_overlayer_lowered:
.L_overlay_start_2:
0x41: {  	(tag) =	ssettag $0x2  }
0x42: {  	s0 =	rddreg [dreg:$0x0];
	s2 =	stileid.u32  }
0x43: {  	s1 =	rddreg [dreg:$0x1];
	p0 =	sne.s32 s2, $0x0  }
0x44: {  	s3 =	rddreg [dreg:$0x2];
	[bflag:$0x3] =	sbarrier.arrive $0xFFFF;
	s2 =	simm.s32 @!p0 $0x1C01  }
0x45: {  	[timem:s3], [sflag:s2] =	dma.local @!p0 [hbm:s0], s1  }
0x46: {  	s0 =	simm.s32 @!p0 $0x1  }
0x47: {  	_ =	swait.ge @!p0 [sflag:s0], s1  }
0x48: {  	s1 =	ssub.s32 @!p0 $0x0, s1;
	[sflag:s0] =	ssyncset.done @!p0 $0x0  }
0x49: {  	[sflag:s0] =	ssyncadd.s32 @!p0 s1  }
0x4a: {  	[bflag:$0x3] =	sbarrier.arrive $0xFFFF  }
0x4b: {  	_ =	shalt  }

</sc_bundles>
